<compile_context>
chip_gen: v7x
topology: tpu7x:2x2x1
jax: 0.10.2.dev20260603
libtpu: 0.0.44.dev20260713+nightly
codegen_flags: <defaults>
</compile_context>

<pallas_src>
import functools

import jax
import jax.numpy as jnp
from jax import lax
from jax.experimental import pallas as pl
from jax.experimental.pallas import tpu as pltpu
from jax.experimental.pallas import tpu_sc as plsc

_N_DST = 10000
_N_EDGES = 320000
_D = 128

_NC = 2
_NS = 16
_NW = _NC * _NS

_EDGES_PER_TILE = _N_EDGES // _NW
_B = 80
_NBLK = _EDGES_PER_TILE // _B
_B_TAIL = _EDGES_PER_TILE - _NBLK * _B

_CH = 80
_NCHUNKS = _N_DST // _CH


def _sc_segment_sum(src_emb, dst_ids):
    mesh = plsc.VectorSubcoreMesh(core_axis_name="c", subcore_axis_name="s")

    @functools.partial(
        pl.kernel,
        mesh=mesh,
        out_type=jax.ShapeDtypeStruct((_NC, _N_DST, _D), jnp.float32),
        scratch_types=[
            pltpu.VMEM((_B, _D), jnp.float32),
            pltpu.VMEM((_B, _D), jnp.float32),
            pltpu.VMEM((_B,), jnp.int32),
            pltpu.VMEM((_B,), jnp.int32),
            pltpu.VMEM((_CH, _D), jnp.float32),
            pltpu.VMEM_SHARED((_N_DST, _D), jnp.float32),
            pltpu.SemaphoreType.DMA,
            pltpu.SemaphoreType.DMA,
        ],
    )
    def body(src_hbm, ids_hbm, out_hbm, rows_a, rows_b, ids_a, ids_b,
             tmp_v, acc_sh, sem_a, sem_b):
        c = lax.axis_index("c")
        s = lax.axis_index("s")
        w = s * _NC + c

        def _base(b):
            return pl.multiple_of(w * _EDGES_PER_TILE + b * _B, _B)

        def start(b, rows_v, ids_v, sem):
            base = _base(b)
            pltpu.async_copy(src_hbm.at[pl.ds(base, _B)], rows_v, sem)
            pltpu.async_copy(ids_hbm.at[pl.ds(base, _B)], ids_v, sem)

        def dma_wait(b, rows_v, ids_v, sem):
            base = _base(b)
            pltpu.make_async_copy(src_hbm.at[pl.ds(base, _B)], rows_v, sem).wait()
            pltpu.make_async_copy(ids_hbm.at[pl.ds(base, _B)], ids_v, sem).wait()

        start(0, rows_a, ids_a, sem_a)
        start(1, rows_b, ids_b, sem_b)

        z16 = jnp.zeros((16,), jnp.float32)

        def zero_row(r, carry):
            for j in range(_D // 16):
                tmp_v[r, pl.ds(j * 16, 16)] = z16
            return carry

        lax.fori_loop(0, _CH, zero_row, 0)

        n_my_chunks = (_NCHUNKS + _NS - 1 - s) // _NS

        def init_chunk(k, carry):
            r0 = pl.multiple_of((s + k * _NS) * _CH, 8)
            pltpu.sync_copy(tmp_v, acc_sh.at[pl.ds(r0, _CH)])
            return carry

        lax.fori_loop(0, n_my_chunks, init_chunk, 0)
        plsc.subcore_barrier()

        def pair(g, carry):
            dma_wait(2 * g, rows_a, ids_a, sem_a)
            pltpu.sync_copy(rows_a, acc_sh.at[ids_a], add=True)
            start(2 * g + 2, rows_a, ids_a, sem_a)
            dma_wait(2 * g + 1, rows_b, ids_b, sem_b)
            pltpu.sync_copy(rows_b, acc_sh.at[ids_b], add=True)
            start(2 * g + 3, rows_b, ids_b, sem_b)
            return carry

        lax.fori_loop(0, _NBLK // 2 - 1, pair, 0)
        dma_wait(_NBLK - 3, rows_a, ids_a, sem_a)
        pltpu.sync_copy(rows_a, acc_sh.at[ids_a], add=True)
        start(_NBLK - 1, rows_a, ids_a, sem_a)
        dma_wait(_NBLK - 2, rows_b, ids_b, sem_b)
        pltpu.sync_copy(rows_b, acc_sh.at[ids_b], add=True)
        dma_wait(_NBLK - 1, rows_a, ids_a, sem_a)
        pltpu.sync_copy(rows_a, acc_sh.at[ids_a], add=True)

        plsc.subcore_barrier()

        def out_chunk(k, carry):
            r0 = pl.multiple_of((s + k * _NS) * _CH, 8)
            pltpu.sync_copy(acc_sh.at[pl.ds(r0, _CH)], out_hbm.at[c, pl.ds(r0, _CH)])
            return carry

        lax.fori_loop(0, n_my_chunks, out_chunk, 0)

    return body(src_emb, dst_ids)


_R_BLK = 2000


def _combine_body(parts_ref, tail_ref, o_ref):
    o_ref[...] = parts_ref[0] + parts_ref[1] + tail_ref[...]


_TAIL_BLK0 = _N_EDGES // _R_BLK


def _combine(parts, src_emb):
    return pl.pallas_call(
        _combine_body,
        grid=(_N_DST // _R_BLK,),
        in_specs=[
            pl.BlockSpec((_NC, _R_BLK, _D), lambda i: (0, i, 0)),
            pl.BlockSpec((_R_BLK, _D), lambda i: (_TAIL_BLK0 + i, 0)),
        ],
        out_specs=pl.BlockSpec((_R_BLK, _D), lambda i: (i, 0)),
        out_shape=jax.ShapeDtypeStruct((_N_DST, _D), jnp.float32),
    )(parts, src_emb)


def kernel(src_emb, src_emb_in, dst_ids):
    del src_emb_in
    parts = _sc_segment_sum(src_emb, dst_ids.astype(jnp.int32))
    return _combine(parts, src_emb)

# --- scband reference (transcript-rebuilt; emitter-appended) ---
"""Pipeline reference for scband-a-sum-op-6631429505523 (READ-ONLY COPY).

The authoritative reference and input builder live on the scoring server;
editing this copy changes nothing except your own understanding.
"""

import jax, jax.numpy as jnp
import numpy as np

N_DST = 10000
N_EDGES = 320000
D_FEAT = 128

def setup_inputs(seed: int = 0) -> dict:
    key = jax.random.key(seed)
    k1, k2, k3 = jax.random.split(key, 3)
    src_emb = jax.random.normal(k1, (N_EDGES + N_DST, D_FEAT), dtype=jnp.float32)
    src_emb_in = jax.random.normal(k2, (N_EDGES + N_DST, D_FEAT), dtype=jnp.float32)
    dst_ids = jax.random.randint(k3, (N_EDGES,), 0, N_DST, dtype=jnp.int64 if jax.config.read('jax_enable_x64') else jnp.int32)
    return {"src_emb": src_emb, "src_emb_in": src_emb_in, "dst_ids": dst_ids}

def reference(src_emb, src_emb_in, dst_ids):
    # DGL semantics: block.edata['msg_e'] = src_emb[:num_edges]
    # update_all(copy_edge, sum) -> per-dst-node sum of incoming edge messages
    E = dst_ids.shape[0]
    msgs = src_emb[:E, :]
    h = jax.ops.segment_sum(msgs, dst_ids, num_segments=N_DST)
    # dropout is identity in eval mode; add dst-node self embeddings
    h_node = h + src_emb[E:, :]
    return h_node

if __name__ == "__main__":
    import jax
    _d = setup_inputs()
    print(jax.jit(kernel)(*tuple(_d.values())))

</pallas_src>

<mosaic_0001>
#map = affine_map<(d0, d1) -> (0, 0)>
#map1 = affine_map<(d0, d1) -> (0)>
#map2 = affine_map<(d0, d1) -> (0, 0, 0)>
module attributes {stable_mosaic.version = 14 : i64} {
  func.func @body(%arg0: i32, %arg1: i32, %arg2: memref<330000x128xf32, #tpu.memory_space<hbm>>, %arg3: memref<320000xi32, #tpu.memory_space<hbm>>, %arg4: memref<2x10000x128xf32, #tpu.memory_space<hbm>>, %arg5: memref<80x128xf32, #tpu.memory_space<vmem>>, %arg6: memref<80x128xf32, #tpu.memory_space<vmem>>, %arg7: memref<80xi32, #tpu.memory_space<vmem>>, %arg8: memref<80xi32, #tpu.memory_space<vmem>>, %arg9: memref<80x128xf32, #tpu.memory_space<vmem>>, %arg10: memref<10000x128xf32, #tpu.memory_space<vmem_shared>>, %arg11: memref<!tpu.dma_semaphore, #tpu.memory_space<semaphore_mem>>, %arg12: memref<!tpu.dma_semaphore, #tpu.memory_space<semaphore_mem>>) attributes {dimension_semantics = [#tpu.dimension_semantics<core_parallel>, #tpu.dimension_semantics<subcore_parallel>], iteration_bounds = array<i64: 2, 16>, scalar_prefetch = 0 : i64, scratch_operands = 8 : i64, tpu.core_type = #tpu.core_type<sc_vector_subcore>, window_params = [{transform_indices = #map}, {transform_indices = #map1}, {transform_indices = #map2}]} {
    %mul3A = arith.constant 2 : i32
    %mul3A_0 = arith.muli %arg1, %mul3A : i32
    %add3A = arith.addi %mul3A_0, %arg0 : i32
    %mul3A_1 = arith.constant 10000 : i32
    %mul3A_2 = arith.muli %add3A, %mul3A_1 : i32
    %add3A_3 = arith.constant 0 : i32
    %add3A_4 = arith.addi %mul3A_2, %add3A_3 : i32
    %multiple_of3A = tpu.assume_multiple %add3A_4, 80 : i32
    %dma_start3A = arith.constant 0 : i32
    %dma_start3A_5 = tpu.memref_slice %arg2[%multiple_of3A, %dma_start3A] : memref<330000x128xf32, #tpu.memory_space<hbm>> -> memref<80x128xf32, #tpu.memory_space<hbm>>
    %dma_start3A_6 = arith.constant 0 : i32
    %dma_start3A_7 = tpu.memref_slice %arg2[%multiple_of3A, %dma_start3A_6] : memref<330000x128xf32, #tpu.memory_space<hbm>> -> memref<80x128xf32, #tpu.memory_space<hbm>>
    tpu.enqueue_dma source(%dma_start3A_7 : memref<80x128xf32, #tpu.memory_space<hbm>>) target(%arg5 : memref<80x128xf32, #tpu.memory_space<vmem>>) target_semaphore(%arg11 : memref<!tpu.dma_semaphore, #tpu.memory_space<semaphore_mem>>)
    %dma_start3A_8 = tpu.memref_slice %arg3[%multiple_of3A] : memref<320000xi32, #tpu.memory_space<hbm>> -> memref<80xi32, #tpu.memory_space<hbm>>
    %dma_start3A_9 = tpu.memref_slice %arg3[%multiple_of3A] : memref<320000xi32, #tpu.memory_space<hbm>> -> memref<80xi32, #tpu.memory_space<hbm>>
    tpu.enqueue_dma source(%dma_start3A_9 : memref<80xi32, #tpu.memory_space<hbm>>) target(%arg7 : memref<80xi32, #tpu.memory_space<vmem>>) target_semaphore(%arg11 : memref<!tpu.dma_semaphore, #tpu.memory_space<semaphore_mem>>)
    %mul3A_10 = arith.constant 10000 : i32
    %mul3A_11 = arith.muli %add3A, %mul3A_10 : i32
    %add3A_12 = arith.constant 80 : i32
    %add3A_13 = arith.addi %mul3A_11, %add3A_12 : i32
    %multiple_of3A_14 = tpu.assume_multiple %add3A_13, 80 : i32
    %dma_start3A_15 = arith.constant 0 : i32
    %dma_start3A_16 = tpu.memref_slice %arg2[%multiple_of3A_14, %dma_start3A_15] : memref<330000x128xf32, #tpu.memory_space<hbm>> -> memref<80x128xf32, #tpu.memory_space<hbm>>
    %dma_start3A_17 = arith.constant 0 : i32
    %dma_start3A_18 = tpu.memref_slice %arg2[%multiple_of3A_14, %dma_start3A_17] : memref<330000x128xf32, #tpu.memory_space<hbm>> -> memref<80x128xf32, #tpu.memory_space<hbm>>
    tpu.enqueue_dma source(%dma_start3A_18 : memref<80x128xf32, #tpu.memory_space<hbm>>) target(%arg6 : memref<80x128xf32, #tpu.memory_space<vmem>>) target_semaphore(%arg12 : memref<!tpu.dma_semaphore, #tpu.memory_space<semaphore_mem>>)
    %dma_start3A_19 = tpu.memref_slice %arg3[%multiple_of3A_14] : memref<320000xi32, #tpu.memory_space<hbm>> -> memref<80xi32, #tpu.memory_space<hbm>>
    %dma_start3A_20 = tpu.memref_slice %arg3[%multiple_of3A_14] : memref<320000xi32, #tpu.memory_space<hbm>> -> memref<80xi32, #tpu.memory_space<hbm>>
    tpu.enqueue_dma source(%dma_start3A_20 : memref<80xi32, #tpu.memory_space<hbm>>) target(%arg8 : memref<80xi32, #tpu.memory_space<vmem>>) target_semaphore(%arg12 : memref<!tpu.dma_semaphore, #tpu.memory_space<semaphore_mem>>)
    %broadcast_in_dim3A = arith.constant 0.000000e+00 : f32
    %broadcast_in_dim3A_21 = vector.broadcast %broadcast_in_dim3A : f32 to vector<16xf32>
    %scan3A = arith.constant 0 : i32
    %scan3A_22 = arith.constant 0 : i32
    %scan3A_23 = arith.constant 80 : i32
    %scan3A_24 = arith.addi %scan3A_22, %scan3A_23 : i32
    %scan3A_25 = arith.constant 1 : i32
    scf.for %scan3A_114 = %scan3A_22 to %scan3A_24 step %scan3A_25  : i32 {
      %swap3A = arith.index_cast %scan3A_114 : i32 to index
      %swap3A_115 = arith.constant 0 : index
      %swap3A_116 = tpu.vector_load %arg9[%swap3A, %swap3A_115] {strides = array<i32>} : memref<80x128xf32, #tpu.memory_space<vmem>>, vector<1x16xf32>,
      %swap3A_117 = vector.shape_cast %swap3A_116 : vector<1x16xf32> to vector<16xf32>
      %swap3A_118 = vector.shape_cast %broadcast_in_dim3A_21 : vector<16xf32> to vector<1x16xf32>
      tpu.vector_store %arg9[%swap3A, %swap3A_115], %swap3A_118 {strides = array<i32>} : memref<80x128xf32, #tpu.memory_space<vmem>>, vector<1x16xf32>,
      %swap3A_119 = arith.index_cast %scan3A_114 : i32 to index
      %swap3A_120 = arith.constant 16 : index
      %swap3A_121 = tpu.vector_load %arg9[%swap3A_119, %swap3A_120] {strides = array<i32>} : memref<80x128xf32, #tpu.memory_space<vmem>>, vector<1x16xf32>,
      %swap3A_122 = vector.shape_cast %swap3A_121 : vector<1x16xf32> to vector<16xf32>
      %swap3A_123 = vector.shape_cast %broadcast_in_dim3A_21 : vector<16xf32> to vector<1x16xf32>
      tpu.vector_store %arg9[%swap3A_119, %swap3A_120], %swap3A_123 {strides = array<i32>} : memref<80x128xf32, #tpu.memory_space<vmem>>, vector<1x16xf32>,
      %swap3A_124 = arith.index_cast %scan3A_114 : i32 to index
      %swap3A_125 = arith.constant 32 : index
      %swap3A_126 = tpu.vector_load %arg9[%swap3A_124, %swap3A_125] {strides = array<i32>} : memref<80x128xf32, #tpu.memory_space<vmem>>, vector<1x16xf32>,
      %swap3A_127 = vector.shape_cast %swap3A_126 : vector<1x16xf32> to vector<16xf32>
      %swap3A_128 = vector.shape_cast %broadcast_in_dim3A_21 : vector<16xf32> to vector<1x16xf32>
      tpu.vector_store %arg9[%swap3A_124, %swap3A_125], %swap3A_128 {strides = array<i32>} : memref<80x128xf32, #tpu.memory_space<vmem>>, vector<1x16xf32>,
      %swap3A_129 = arith.index_cast %scan3A_114 : i32 to index
      %swap3A_130 = arith.constant 48 : index
      %swap3A_131 = tpu.vector_load %arg9[%swap3A_129, %swap3A_130] {strides = array<i32>} : memref<80x128xf32, #tpu.memory_space<vmem>>, vector<1x16xf32>,
      %swap3A_132 = vector.shape_cast %swap3A_131 : vector<1x16xf32> to vector<16xf32>
      %swap3A_133 = vector.shape_cast %broadcast_in_dim3A_21 : vector<16xf32> to vector<1x16xf32>
      tpu.vector_store %arg9[%swap3A_129, %swap3A_130], %swap3A_133 {strides = array<i32>} : memref<80x128xf32, #tpu.memory_space<vmem>>, vector<1x16xf32>,
      %swap3A_134 = arith.index_cast %scan3A_114 : i32 to index
      %swap3A_135 = arith.constant 64 : index
      %swap3A_136 = tpu.vector_load %arg9[%swap3A_134, %swap3A_135] {strides = array<i32>} : memref<80x128xf32, #tpu.memory_space<vmem>>, vector<1x16xf32>,
      %swap3A_137 = vector.shape_cast %swap3A_136 : vector<1x16xf32> to vector<16xf32>
      %swap3A_138 = vector.shape_cast %broadcast_in_dim3A_21 : vector<16xf32> to vector<1x16xf32>
      tpu.vector_store %arg9[%swap3A_134, %swap3A_135], %swap3A_138 {strides = array<i32>} : memref<80x128xf32, #tpu.memory_space<vmem>>, vector<1x16xf32>,
      %swap3A_139 = arith.index_cast %scan3A_114 : i32 to index
      %swap3A_140 = arith.constant 80 : index
      %swap3A_141 = tpu.vector_load %arg9[%swap3A_139, %swap3A_140] {strides = array<i32>} : memref<80x128xf32, #tpu.memory_space<vmem>>, vector<1x16xf32>,
      %swap3A_142 = vector.shape_cast %swap3A_141 : vector<1x16xf32> to vector<16xf32>
      %swap3A_143 = vector.shape_cast %broadcast_in_dim3A_21 : vector<16xf32> to vector<1x16xf32>
      tpu.vector_store %arg9[%swap3A_139, %swap3A_140], %swap3A_143 {strides = array<i32>} : memref<80x128xf32, #tpu.memory_space<vmem>>, vector<1x16xf32>,
      %swap3A_144 = arith.index_cast %scan3A_114 : i32 to index
      %swap3A_145 = arith.constant 96 : index
      %swap3A_146 = tpu.vector_load %arg9[%swap3A_144, %swap3A_145] {strides = array<i32>} : memref<80x128xf32, #tpu.memory_space<vmem>>, vector<1x16xf32>,
      %swap3A_147 = vector.shape_cast %swap3A_146 : vector<1x16xf32> to vector<16xf32>
      %swap3A_148 = vector.shape_cast %broadcast_in_dim3A_21 : vector<16xf32> to vector<1x16xf32>
      tpu.vector_store %arg9[%swap3A_144, %swap3A_145], %swap3A_148 {strides = array<i32>} : memref<80x128xf32, #tpu.memory_space<vmem>>, vector<1x16xf32>,
      %swap3A_149 = arith.index_cast %scan3A_114 : i32 to index
      %swap3A_150 = arith.constant 112 : index
      %swap3A_151 = tpu.vector_load %arg9[%swap3A_149, %swap3A_150] {strides = array<i32>} : memref<80x128xf32, #tpu.memory_space<vmem>>, vector<1x16xf32>,
      %swap3A_152 = vector.shape_cast %swap3A_151 : vector<1x16xf32> to vector<16xf32>
      %swap3A_153 = vector.shape_cast %broadcast_in_dim3A_21 : vector<16xf32> to vector<1x16xf32>
      tpu.vector_store %arg9[%swap3A_149, %swap3A_150], %swap3A_153 {strides = array<i32>} : memref<80x128xf32, #tpu.memory_space<vmem>>, vector<1x16xf32>,
    }
    %scan3A_26 = arith.constant 80 : i32
    %sub3A = arith.constant 140 : i32
    %sub3A_27 = arith.subi %sub3A, %arg1 : i32
    %jit3A = arith.constant 16 : i32
    %div3A = arith.divsi %sub3A_27, %jit3A : i32
    %sign3A = arith.constant 0 : i32
    %sign3A_28 = arith.cmpi sgt, %sub3A_27, %sign3A : i32
    %sign3A_29 = arith.extui %sign3A_28 : i1 to i32
    %sign3A_30 = arith.constant 0 : i32
    %sign3A_31 = arith.cmpi slt, %sub3A_27, %sign3A_30 : i32
    %sign3A_32 = arith.extui %sign3A_31 : i1 to i32
    %sign3A_33 = arith.subi %sign3A_29, %sign3A_32 : i32
    %sign3A_34 = arith.constant 0 : i32
    %sign3A_35 = arith.cmpi sgt, %jit3A, %sign3A_34 : i32
    %sign3A_36 = arith.extui %sign3A_35 : i1 to i32
    %sign3A_37 = arith.constant 0 : i32
    %sign3A_38 = arith.cmpi slt, %jit3A, %sign3A_37 : i32
    %sign3A_39 = arith.extui %sign3A_38 : i1 to i32
    %sign3A_40 = arith.subi %sign3A_36, %sign3A_39 : i32
    %ne3A = arith.cmpi ne, %sign3A_33, %sign3A_40 : i32
    %rem3A = arith.remsi %sub3A_27, %jit3A : i32
    %ne3A_41 = arith.constant 0 : i32
    %ne3A_42 = arith.cmpi ne, %rem3A, %ne3A_41 : i32
    %and3A = arith.andi %ne3A, %ne3A_42 : i1
    %sub3A_43 = arith.constant 1 : i32
    %sub3A_44 = arith.subi %div3A, %sub3A_43 : i32
    %select_n3A = arith.select %and3A, %sub3A_44, %div3A : i32
    %while3A = arith.constant 0 : i32
    %while3A_45 = arith.constant 0 : i32
    %while3A_46 = arith.subi %select_n3A, %while3A_45 : i32
    %while3A_47 = arith.addi %while3A_45, %while3A_46 : i32
    %while3A_48 = arith.constant 1 : i32
    %while3A_49 = arith.divsi %while3A_46, %while3A_48 : i32
    %while3A_50 = arith.muli %while3A_49, %while3A_48 : i32
    %while3A_51 = arith.addi %while3A_45, %while3A_50 : i32
    %while3A_52 = arith.constant 1 : i32
    scf.for %while3A_114 = %while3A_45 to %while3A_51 step %while3A_52  : i32 {
      %mul3A_115 = arith.constant 16 : i32
      %mul3A_116 = arith.muli %while3A_114, %mul3A_115 : i32
      %add3A_117 = arith.addi %arg1, %mul3A_116 : i32
      %mul3A_118 = arith.constant 80 : i32
      %mul3A_119 = arith.muli %add3A_117, %mul3A_118 : i32
      %multiple_of3A_120 = tpu.assume_multiple %mul3A_119, 8 : i32
      "tpu.region"() ({
        %run_scoped3A = tpu.sem_alloc : memref<!tpu.dma_semaphore, #tpu.memory_space<semaphore_mem>>
        %dma_start3A_121 = arith.constant 0 : i32
        %dma_start3A_122 = tpu.memref_slice %arg10[%multiple_of3A_120, %dma_start3A_121] : memref<10000x128xf32, #tpu.memory_space<vmem_shared>> -> memref<80x128xf32, #tpu.memory_space<vmem_shared>>
        %dma_start3A_123 = arith.constant 0 : i32
        %dma_start3A_124 = tpu.memref_slice %arg10[%multiple_of3A_120, %dma_start3A_123] : memref<10000x128xf32, #tpu.memory_space<vmem_shared>> -> memref<80x128xf32, #tpu.memory_space<vmem_shared>>
        tpu.enqueue_dma source(%arg9 : memref<80x128xf32, #tpu.memory_space<vmem>>) target(%dma_start3A_124 : memref<80x128xf32, #tpu.memory_space<vmem_shared>>) target_semaphore(%run_scoped3A : memref<!tpu.dma_semaphore, #tpu.memory_space<semaphore_mem>>)
        %dma_wait3A_125 = arith.constant 0 : i32
        %dma_wait3A_126 = tpu.memref_slice %arg10[%multiple_of3A_120, %dma_wait3A_125] : memref<10000x128xf32, #tpu.memory_space<vmem_shared>> -> memref<80x128xf32, #tpu.memory_space<vmem_shared>>
        %dma_wait3A_127 = arith.constant 0 : i32
        %dma_wait3A_128 = tpu.memref_slice %arg10[%multiple_of3A_120, %dma_wait3A_127] : memref<10000x128xf32, #tpu.memory_space<vmem_shared>> -> memref<80x128xf32, #tpu.memory_space<vmem_shared>>
        tpu.wait_dma2 semaphore(%run_scoped3A : memref<!tpu.dma_semaphore, #tpu.memory_space<semaphore_mem>>) src(%arg9 : memref<80x128xf32, #tpu.memory_space<vmem>>) dst(%dma_wait3A_128 : memref<80x128xf32, #tpu.memory_space<vmem_shared>>)
        tpu.yield
      }) : () -> ()
    }
    %while3A_53 = arith.constant 1 : i32
    scf.for %while3A_114 = %while3A_51 to %while3A_47 step %while3A_53  : i32 {
      %mul3A_115 = arith.constant 16 : i32
      %mul3A_116 = arith.muli %while3A_114, %mul3A_115 : i32
      %add3A_117 = arith.addi %arg1, %mul3A_116 : i32
      %mul3A_118 = arith.constant 80 : i32
      %mul3A_119 = arith.muli %add3A_117, %mul3A_118 : i32
      %multiple_of3A_120 = tpu.assume_multiple %mul3A_119, 8 : i32
      "tpu.region"() ({
        %run_scoped3A = tpu.sem_alloc : memref<!tpu.dma_semaphore, #tpu.memory_space<semaphore_mem>>
        %dma_start3A_121 = arith.constant 0 : i32
        %dma_start3A_122 = tpu.memref_slice %arg10[%multiple_of3A_120, %dma_start3A_121] : memref<10000x128xf32, #tpu.memory_space<vmem_shared>> -> memref<80x128xf32, #tpu.memory_space<vmem_shared>>
        %dma_start3A_123 = arith.constant 0 : i32
        %dma_start3A_124 = tpu.memref_slice %arg10[%multiple_of3A_120, %dma_start3A_123] : memref<10000x128xf32, #tpu.memory_space<vmem_shared>> -> memref<80x128xf32, #tpu.memory_space<vmem_shared>>
        tpu.enqueue_dma source(%arg9 : memref<80x128xf32, #tpu.memory_space<vmem>>) target(%dma_start3A_124 : memref<80x128xf32, #tpu.memory_space<vmem_shared>>) target_semaphore(%run_scoped3A : memref<!tpu.dma_semaphore, #tpu.memory_space<semaphore_mem>>)
        %dma_wait3A_125 = arith.constant 0 : i32
        %dma_wait3A_126 = tpu.memref_slice %arg10[%multiple_of3A_120, %dma_wait3A_125] : memref<10000x128xf32, #tpu.memory_space<vmem_shared>> -> memref<80x128xf32, #tpu.memory_space<vmem_shared>>
        %dma_wait3A_127 = arith.constant 0 : i32
        %dma_wait3A_128 = tpu.memref_slice %arg10[%multiple_of3A_120, %dma_wait3A_127] : memref<10000x128xf32, #tpu.memory_space<vmem_shared>> -> memref<80x128xf32, #tpu.memory_space<vmem_shared>>
        tpu.wait_dma2 semaphore(%run_scoped3A : memref<!tpu.dma_semaphore, #tpu.memory_space<semaphore_mem>>) src(%arg9 : memref<80x128xf32, #tpu.memory_space<vmem>>) dst(%dma_wait3A_128 : memref<80x128xf32, #tpu.memory_space<vmem_shared>>)
        tpu.yield
      }) : () -> ()
    }
    %barrier3A = arith.constant 0 : index
    tpu.barrier barrier_id(%barrier3A)
    %scan3A_54 = arith.constant 0 : i32
    %scan3A_55 = arith.constant 0 : i32
    %scan3A_56 = arith.constant 61 : i32
    %scan3A_57 = arith.addi %scan3A_55, %scan3A_56 : i32
    %scan3A_58 = arith.constant 1 : i32
    scf.for %scan3A_114 = %scan3A_55 to %scan3A_57 step %scan3A_58  : i32 {
      %mul3A_115 = arith.constant 2 : i32
      %mul3A_116 = arith.muli %mul3A_115, %scan3A_114 : i32
      %mul3A_117 = arith.constant 10000 : i32
      %mul3A_118 = arith.muli %add3A, %mul3A_117 : i32
      %mul3A_119 = arith.constant 80 : i32
      %mul3A_120 = arith.muli %mul3A_116, %mul3A_119 : i32
      %add3A_121 = arith.addi %mul3A_118, %mul3A_120 : i32
      %multiple_of3A_122 = tpu.assume_multiple %add3A_121, 80 : i32
      %dma_wait3A_123 = arith.constant 0 : i32
      %dma_wait3A_124 = tpu.memref_slice %arg2[%multiple_of3A_122, %dma_wait3A_123] : memref<330000x128xf32, #tpu.memory_space<hbm>> -> memref<80x128xf32, #tpu.memory_space<hbm>>
      %dma_wait3A_125 = arith.constant 0 : i32
      %dma_wait3A_126 = tpu.memref_slice %arg2[%multiple_of3A_122, %dma_wait3A_125] : memref<330000x128xf32, #tpu.memory_space<hbm>> -> memref<80x128xf32, #tpu.memory_space<hbm>>
      tpu.wait_dma2 semaphore(%arg11 : memref<!tpu.dma_semaphore, #tpu.memory_space<semaphore_mem>>) src(%dma_wait3A_126 : memref<80x128xf32, #tpu.memory_space<hbm>>) dst(%arg5 : memref<80x128xf32, #tpu.memory_space<vmem>>)
      %dma_wait3A_127 = tpu.memref_slice %arg3[%multiple_of3A_122] : memref<320000xi32, #tpu.memory_space<hbm>> -> memref<80xi32, #tpu.memory_space<hbm>>
      %dma_wait3A_128 = tpu.memref_slice %arg3[%multiple_of3A_122] : memref<320000xi32, #tpu.memory_space<hbm>> -> memref<80xi32, #tpu.memory_space<hbm>>
      tpu.wait_dma2 semaphore(%arg11 : memref<!tpu.dma_semaphore, #tpu.memory_space<semaphore_mem>>) src(%dma_wait3A_128 : memref<80xi32, #tpu.memory_space<hbm>>) dst(%arg7 : memref<80xi32, #tpu.memory_space<vmem>>)
      "tpu.region"() ({
        %run_scoped3A = tpu.sem_alloc : memref<!tpu.dma_semaphore, #tpu.memory_space<semaphore_mem>>
        %dma_start3A_177 = arith.constant 0 : i32
        %dma_start3A_178 = arith.constant 0 : i32
        %dma_start3A_179 = tpu.memref_slice %arg10[%dma_start3A_177, %dma_start3A_178] : memref<10000x128xf32, #tpu.memory_space<vmem_shared>> -> memref<10000x128xf32, #tpu.memory_space<vmem_shared>>
        tpu.enqueue_indirect_dma source(%arg5 : memref<80x128xf32, #tpu.memory_space<vmem>>) target(%dma_start3A_179 : memref<10000x128xf32, #tpu.memory_space<vmem_shared>>) offsets(%arg7 : memref<80xi32, #tpu.memory_space<vmem>>) semaphore(%run_scoped3A : memref<!tpu.dma_semaphore, #tpu.memory_space<semaphore_mem>>) {add = true}
        %dma_wait3A_180 = arith.constant 0 : i32
        %dma_wait3A_181 = arith.constant 0 : i32
        %dma_wait3A_182 = tpu.memref_slice %arg10[%dma_wait3A_180, %dma_wait3A_181] : memref<10000x128xf32, #tpu.memory_space<vmem_shared>> -> memref<10000x128xf32, #tpu.memory_space<vmem_shared>>
        tpu.wait_indirect_dma semaphore(%run_scoped3A : memref<!tpu.dma_semaphore, #tpu.memory_space<semaphore_mem>>) src(%arg5 : memref<80x128xf32, #tpu.memory_space<vmem>>) dst(%dma_wait3A_182 : memref<10000x128xf32, #tpu.memory_space<vmem_shared>>)
        tpu.yield
      }) : () -> ()
      %mul3A_129 = arith.constant 2 : i32
      %mul3A_130 = arith.muli %mul3A_129, %scan3A_114 : i32
      %add3A_131 = arith.constant 2 : i32
      %add3A_132 = arith.addi %mul3A_130, %add3A_131 : i32
      %mul3A_133 = arith.constant 10000 : i32
      %mul3A_134 = arith.muli %add3A, %mul3A_133 : i32
      %mul3A_135 = arith.constant 80 : i32
      %mul3A_136 = arith.muli %add3A_132, %mul3A_135 : i32
      %add3A_137 = arith.addi %mul3A_134, %mul3A_136 : i32
      %multiple_of3A_138 = tpu.assume_multiple %add3A_137, 80 : i32
      %dma_start3A_139 = arith.constant 0 : i32
      %dma_start3A_140 = tpu.memref_slice %arg2[%multiple_of3A_138, %dma_start3A_139] : memref<330000x128xf32, #tpu.memory_space<hbm>> -> memref<80x128xf32, #tpu.memory_space<hbm>>
      %dma_start3A_141 = arith.constant 0 : i32
      %dma_start3A_142 = tpu.memref_slice %arg2[%multiple_of3A_138, %dma_start3A_141] : memref<330000x128xf32, #tpu.memory_space<hbm>> -> memref<80x128xf32, #tpu.memory_space<hbm>>
      tpu.enqueue_dma source(%dma_start3A_142 : memref<80x128xf32, #tpu.memory_space<hbm>>) target(%arg5 : memref<80x128xf32, #tpu.memory_space<vmem>>) target_semaphore(%arg11 : memref<!tpu.dma_semaphore, #tpu.memory_space<semaphore_mem>>)
      %dma_start3A_143 = tpu.memref_slice %arg3[%multiple_of3A_138] : memref<320000xi32, #tpu.memory_space<hbm>> -> memref<80xi32, #tpu.memory_space<hbm>>
      %dma_start3A_144 = tpu.memref_slice %arg3[%multiple_of3A_138] : memref<320000xi32, #tpu.memory_space<hbm>> -> memref<80xi32, #tpu.memory_space<hbm>>
      tpu.enqueue_dma source(%dma_start3A_144 : memref<80xi32, #tpu.memory_space<hbm>>) target(%arg7 : memref<80xi32, #tpu.memory_space<vmem>>) target_semaphore(%arg11 : memref<!tpu.dma_semaphore, #tpu.memory_space<semaphore_mem>>)
      %mul3A_145 = arith.constant 2 : i32
      %mul3A_146 = arith.muli %mul3A_145, %scan3A_114 : i32
      %add3A_147 = arith.constant 1 : i32
      %add3A_148 = arith.addi %mul3A_146, %add3A_147 : i32
      %mul3A_149 = arith.constant 10000 : i32
      %mul3A_150 = arith.muli %add3A, %mul3A_149 : i32
      %mul3A_151 = arith.constant 80 : i32
      %mul3A_152 = arith.muli %add3A_148, %mul3A_151 : i32
      %add3A_153 = arith.addi %mul3A_150, %mul3A_152 : i32
      %multiple_of3A_154 = tpu.assume_multiple %add3A_153, 80 : i32
      %dma_wait3A_155 = arith.constant 0 : i32
      %dma_wait3A_156 = tpu.memref_slice %arg2[%multiple_of3A_154, %dma_wait3A_155] : memref<330000x128xf32, #tpu.memory_space<hbm>> -> memref<80x128xf32, #tpu.memory_space<hbm>>
      %dma_wait3A_157 = arith.constant 0 : i32
      %dma_wait3A_158 = tpu.memref_slice %arg2[%multiple_of3A_154, %dma_wait3A_157] : memref<330000x128xf32, #tpu.memory_space<hbm>> -> memref<80x128xf32, #tpu.memory_space<hbm>>
      tpu.wait_dma2 semaphore(%arg12 : memref<!tpu.dma_semaphore, #tpu.memory_space<semaphore_mem>>) src(%dma_wait3A_158 : memref<80x128xf32, #tpu.memory_space<hbm>>) dst(%arg6 : memref<80x128xf32, #tpu.memory_space<vmem>>)
      %dma_wait3A_159 = tpu.memref_slice %arg3[%multiple_of3A_154] : memref<320000xi32, #tpu.memory_space<hbm>> -> memref<80xi32, #tpu.memory_space<hbm>>
      %dma_wait3A_160 = tpu.memref_slice %arg3[%multiple_of3A_154] : memref<320000xi32, #tpu.memory_space<hbm>> -> memref<80xi32, #tpu.memory_space<hbm>>
      tpu.wait_dma2 semaphore(%arg12 : memref<!tpu.dma_semaphore, #tpu.memory_space<semaphore_mem>>) src(%dma_wait3A_160 : memref<80xi32, #tpu.memory_space<hbm>>) dst(%arg8 : memref<80xi32, #tpu.memory_space<vmem>>)
      "tpu.region"() ({
        %run_scoped3A = tpu.sem_alloc : memref<!tpu.dma_semaphore, #tpu.memory_space<semaphore_mem>>
        %dma_start3A_177 = arith.constant 0 : i32
        %dma_start3A_178 = arith.constant 0 : i32
        %dma_start3A_179 = tpu.memref_slice %arg10[%dma_start3A_177, %dma_start3A_178] : memref<10000x128xf32, #tpu.memory_space<vmem_shared>> -> memref<10000x128xf32, #tpu.memory_space<vmem_shared>>
        tpu.enqueue_indirect_dma source(%arg6 : memref<80x128xf32, #tpu.memory_space<vmem>>) target(%dma_start3A_179 : memref<10000x128xf32, #tpu.memory_space<vmem_shared>>) offsets(%arg8 : memref<80xi32, #tpu.memory_space<vmem>>) semaphore(%run_scoped3A : memref<!tpu.dma_semaphore, #tpu.memory_space<semaphore_mem>>) {add = true}
        %dma_wait3A_180 = arith.constant 0 : i32
        %dma_wait3A_181 = arith.constant 0 : i32
        %dma_wait3A_182 = tpu.memref_slice %arg10[%dma_wait3A_180, %dma_wait3A_181] : memref<10000x128xf32, #tpu.memory_space<vmem_shared>> -> memref<10000x128xf32, #tpu.memory_space<vmem_shared>>
        tpu.wait_indirect_dma semaphore(%run_scoped3A : memref<!tpu.dma_semaphore, #tpu.memory_space<semaphore_mem>>) src(%arg6 : memref<80x128xf32, #tpu.memory_space<vmem>>) dst(%dma_wait3A_182 : memref<10000x128xf32, #tpu.memory_space<vmem_shared>>)
        tpu.yield
      }) : () -> ()
      %mul3A_161 = arith.constant 2 : i32
      %mul3A_162 = arith.muli %mul3A_161, %scan3A_114 : i32
      %add3A_163 = arith.constant 3 : i32
      %add3A_164 = arith.addi %mul3A_162, %add3A_163 : i32
      %mul3A_165 = arith.constant 10000 : i32
      %mul3A_166 = arith.muli %add3A, %mul3A_165 : i32
      %mul3A_167 = arith.constant 80 : i32
      %mul3A_168 = arith.muli %add3A_164, %mul3A_167 : i32
      %add3A_169 = arith.addi %mul3A_166, %mul3A_168 : i32
      %multiple_of3A_170 = tpu.assume_multiple %add3A_169, 80 : i32
      %dma_start3A_171 = arith.constant 0 : i32
      %dma_start3A_172 = tpu.memref_slice %arg2[%multiple_of3A_170, %dma_start3A_171] : memref<330000x128xf32, #tpu.memory_space<hbm>> -> memref<80x128xf32, #tpu.memory_space<hbm>>
      %dma_start3A_173 = arith.constant 0 : i32
      %dma_start3A_174 = tpu.memref_slice %arg2[%multiple_of3A_170, %dma_start3A_173] : memref<330000x128xf32, #tpu.memory_space<hbm>> -> memref<80x128xf32, #tpu.memory_space<hbm>>
      tpu.enqueue_dma source(%dma_start3A_174 : memref<80x128xf32, #tpu.memory_space<hbm>>) target(%arg6 : memref<80x128xf32, #tpu.memory_space<vmem>>) target_semaphore(%arg12 : memref<!tpu.dma_semaphore, #tpu.memory_space<semaphore_mem>>)
      %dma_start3A_175 = tpu.memref_slice %arg3[%multiple_of3A_170] : memref<320000xi32, #tpu.memory_space<hbm>> -> memref<80xi32, #tpu.memory_space<hbm>>
      %dma_start3A_176 = tpu.memref_slice %arg3[%multiple_of3A_170] : memref<320000xi32, #tpu.memory_space<hbm>> -> memref<80xi32, #tpu.memory_space<hbm>>
      tpu.enqueue_dma source(%dma_start3A_176 : memref<80xi32, #tpu.memory_space<hbm>>) target(%arg8 : memref<80xi32, #tpu.memory_space<vmem>>) target_semaphore(%arg12 : memref<!tpu.dma_semaphore, #tpu.memory_space<semaphore_mem>>)
    }
    %scan3A_59 = arith.constant 61 : i32
    %mul3A_60 = arith.constant 10000 : i32
    %mul3A_61 = arith.muli %add3A, %mul3A_60 : i32
    %add3A_62 = arith.constant 9760 : i32
    %add3A_63 = arith.addi %mul3A_61, %add3A_62 : i32
    %multiple_of3A_64 = tpu.assume_multiple %add3A_63, 80 : i32
    %dma_wait3A = arith.constant 0 : i32
    %dma_wait3A_65 = tpu.memref_slice %arg2[%multiple_of3A_64, %dma_wait3A] : memref<330000x128xf32, #tpu.memory_space<hbm>> -> memref<80x128xf32, #tpu.memory_space<hbm>>
    %dma_wait3A_66 = arith.constant 0 : i32
    %dma_wait3A_67 = tpu.memref_slice %arg2[%multiple_of3A_64, %dma_wait3A_66] : memref<330000x128xf32, #tpu.memory_space<hbm>> -> memref<80x128xf32, #tpu.memory_space<hbm>>
    tpu.wait_dma2 semaphore(%arg11 : memref<!tpu.dma_semaphore, #tpu.memory_space<semaphore_mem>>) src(%dma_wait3A_67 : memref<80x128xf32, #tpu.memory_space<hbm>>) dst(%arg5 : memref<80x128xf32, #tpu.memory_space<vmem>>)
    %dma_wait3A_68 = tpu.memref_slice %arg3[%multiple_of3A_64] : memref<320000xi32, #tpu.memory_space<hbm>> -> memref<80xi32, #tpu.memory_space<hbm>>
    %dma_wait3A_69 = tpu.memref_slice %arg3[%multiple_of3A_64] : memref<320000xi32, #tpu.memory_space<hbm>> -> memref<80xi32, #tpu.memory_space<hbm>>
    tpu.wait_dma2 semaphore(%arg11 : memref<!tpu.dma_semaphore, #tpu.memory_space<semaphore_mem>>) src(%dma_wait3A_69 : memref<80xi32, #tpu.memory_space<hbm>>) dst(%arg7 : memref<80xi32, #tpu.memory_space<vmem>>)
    "tpu.region"() ({
      %run_scoped3A = tpu.sem_alloc : memref<!tpu.dma_semaphore, #tpu.memory_space<semaphore_mem>>
      %dma_start3A_114 = arith.constant 0 : i32
      %dma_start3A_115 = arith.constant 0 : i32
      %dma_start3A_116 = tpu.memref_slice %arg10[%dma_start3A_114, %dma_start3A_115] : memref<10000x128xf32, #tpu.memory_space<vmem_shared>> -> memref<10000x128xf32, #tpu.memory_space<vmem_shared>>
      tpu.enqueue_indirect_dma source(%arg5 : memref<80x128xf32, #tpu.memory_space<vmem>>) target(%dma_start3A_116 : memref<10000x128xf32, #tpu.memory_space<vmem_shared>>) offsets(%arg7 : memref<80xi32, #tpu.memory_space<vmem>>) semaphore(%run_scoped3A : memref<!tpu.dma_semaphore, #tpu.memory_space<semaphore_mem>>) {add = true}
      %dma_wait3A_117 = arith.constant 0 : i32
      %dma_wait3A_118 = arith.constant 0 : i32
      %dma_wait3A_119 = tpu.memref_slice %arg10[%dma_wait3A_117, %dma_wait3A_118] : memref<10000x128xf32, #tpu.memory_space<vmem_shared>> -> memref<10000x128xf32, #tpu.memory_space<vmem_shared>>
      tpu.wait_indirect_dma semaphore(%run_scoped3A : memref<!tpu.dma_semaphore, #tpu.memory_space<semaphore_mem>>) src(%arg5 : memref<80x128xf32, #tpu.memory_space<vmem>>) dst(%dma_wait3A_119 : memref<10000x128xf32, #tpu.memory_space<vmem_shared>>)
      tpu.yield
    }) : () -> ()
    %mul3A_70 = arith.constant 10000 : i32
    %mul3A_71 = arith.muli %add3A, %mul3A_70 : i32
    %add3A_72 = arith.constant 9920 : i32
    %add3A_73 = arith.addi %mul3A_71, %add3A_72 : i32
    %multiple_of3A_74 = tpu.assume_multiple %add3A_73, 80 : i32
    %dma_start3A_75 = arith.constant 0 : i32
    %dma_start3A_76 = tpu.memref_slice %arg2[%multiple_of3A_74, %dma_start3A_75] : memref<330000x128xf32, #tpu.memory_space<hbm>> -> memref<80x128xf32, #tpu.memory_space<hbm>>
    %dma_start3A_77 = arith.constant 0 : i32
    %dma_start3A_78 = tpu.memref_slice %arg2[%multiple_of3A_74, %dma_start3A_77] : memref<330000x128xf32, #tpu.memory_space<hbm>> -> memref<80x128xf32, #tpu.memory_space<hbm>>
    tpu.enqueue_dma source(%dma_start3A_78 : memref<80x128xf32, #tpu.memory_space<hbm>>) target(%arg5 : memref<80x128xf32, #tpu.memory_space<vmem>>) target_semaphore(%arg11 : memref<!tpu.dma_semaphore, #tpu.memory_space<semaphore_mem>>)
    %dma_start3A_79 = tpu.memref_slice %arg3[%multiple_of3A_74] : memref<320000xi32, #tpu.memory_space<hbm>> -> memref<80xi32, #tpu.memory_space<hbm>>
    %dma_start3A_80 = tpu.memref_slice %arg3[%multiple_of3A_74] : memref<320000xi32, #tpu.memory_space<hbm>> -> memref<80xi32, #tpu.memory_space<hbm>>
    tpu.enqueue_dma source(%dma_start3A_80 : memref<80xi32, #tpu.memory_space<hbm>>) target(%arg7 : memref<80xi32, #tpu.memory_space<vmem>>) target_semaphore(%arg11 : memref<!tpu.dma_semaphore, #tpu.memory_space<semaphore_mem>>)
    %mul3A_81 = arith.constant 10000 : i32
    %mul3A_82 = arith.muli %add3A, %mul3A_81 : i32
    %add3A_83 = arith.constant 9840 : i32
    %add3A_84 = arith.addi %mul3A_82, %add3A_83 : i32
    %multiple_of3A_85 = tpu.assume_multiple %add3A_84, 80 : i32
    %dma_wait3A_86 = arith.constant 0 : i32
    %dma_wait3A_87 = tpu.memref_slice %arg2[%multiple_of3A_85, %dma_wait3A_86] : memref<330000x128xf32, #tpu.memory_space<hbm>> -> memref<80x128xf32, #tpu.memory_space<hbm>>
    %dma_wait3A_88 = arith.constant 0 : i32
    %dma_wait3A_89 = tpu.memref_slice %arg2[%multiple_of3A_85, %dma_wait3A_88] : memref<330000x128xf32, #tpu.memory_space<hbm>> -> memref<80x128xf32, #tpu.memory_space<hbm>>
    tpu.wait_dma2 semaphore(%arg12 : memref<!tpu.dma_semaphore, #tpu.memory_space<semaphore_mem>>) src(%dma_wait3A_89 : memref<80x128xf32, #tpu.memory_space<hbm>>) dst(%arg6 : memref<80x128xf32, #tpu.memory_space<vmem>>)
    %dma_wait3A_90 = tpu.memref_slice %arg3[%multiple_of3A_85] : memref<320000xi32, #tpu.memory_space<hbm>> -> memref<80xi32, #tpu.memory_space<hbm>>
    %dma_wait3A_91 = tpu.memref_slice %arg3[%multiple_of3A_85] : memref<320000xi32, #tpu.memory_space<hbm>> -> memref<80xi32, #tpu.memory_space<hbm>>
    tpu.wait_dma2 semaphore(%arg12 : memref<!tpu.dma_semaphore, #tpu.memory_space<semaphore_mem>>) src(%dma_wait3A_91 : memref<80xi32, #tpu.memory_space<hbm>>) dst(%arg8 : memref<80xi32, #tpu.memory_space<vmem>>)
    "tpu.region"() ({
      %run_scoped3A = tpu.sem_alloc : memref<!tpu.dma_semaphore, #tpu.memory_space<semaphore_mem>>
      %dma_start3A_114 = arith.constant 0 : i32
      %dma_start3A_115 = arith.constant 0 : i32
      %dma_start3A_116 = tpu.memref_slice %arg10[%dma_start3A_114, %dma_start3A_115] : memref<10000x128xf32, #tpu.memory_space<vmem_shared>> -> memref<10000x128xf32, #tpu.memory_space<vmem_shared>>
      tpu.enqueue_indirect_dma source(%arg6 : memref<80x128xf32, #tpu.memory_space<vmem>>) target(%dma_start3A_116 : memref<10000x128xf32, #tpu.memory_space<vmem_shared>>) offsets(%arg8 : memref<80xi32, #tpu.memory_space<vmem>>) semaphore(%run_scoped3A : memref<!tpu.dma_semaphore, #tpu.memory_space<semaphore_mem>>) {add = true}
      %dma_wait3A_117 = arith.constant 0 : i32
      %dma_wait3A_118 = arith.constant 0 : i32
      %dma_wait3A_119 = tpu.memref_slice %arg10[%dma_wait3A_117, %dma_wait3A_118] : memref<10000x128xf32, #tpu.memory_space<vmem_shared>> -> memref<10000x128xf32, #tpu.memory_space<vmem_shared>>
      tpu.wait_indirect_dma semaphore(%run_scoped3A : memref<!tpu.dma_semaphore, #tpu.memory_space<semaphore_mem>>) src(%arg6 : memref<80x128xf32, #tpu.memory_space<vmem>>) dst(%dma_wait3A_119 : memref<10000x128xf32, #tpu.memory_space<vmem_shared>>)
      tpu.yield
    }) : () -> ()
    %mul3A_92 = arith.constant 10000 : i32
    %mul3A_93 = arith.muli %add3A, %mul3A_92 : i32
    %add3A_94 = arith.constant 9920 : i32
    %add3A_95 = arith.addi %mul3A_93, %add3A_94 : i32
    %multiple_of3A_96 = tpu.assume_multiple %add3A_95, 80 : i32
    %dma_wait3A_97 = arith.constant 0 : i32
    %dma_wait3A_98 = tpu.memref_slice %arg2[%multiple_of3A_96, %dma_wait3A_97] : memref<330000x128xf32, #tpu.memory_space<hbm>> -> memref<80x128xf32, #tpu.memory_space<hbm>>
    %dma_wait3A_99 = arith.constant 0 : i32
    %dma_wait3A_100 = tpu.memref_slice %arg2[%multiple_of3A_96, %dma_wait3A_99] : memref<330000x128xf32, #tpu.memory_space<hbm>> -> memref<80x128xf32, #tpu.memory_space<hbm>>
    tpu.wait_dma2 semaphore(%arg11 : memref<!tpu.dma_semaphore, #tpu.memory_space<semaphore_mem>>) src(%dma_wait3A_100 : memref<80x128xf32, #tpu.memory_space<hbm>>) dst(%arg5 : memref<80x128xf32, #tpu.memory_space<vmem>>)
    %dma_wait3A_101 = tpu.memref_slice %arg3[%multiple_of3A_96] : memref<320000xi32, #tpu.memory_space<hbm>> -> memref<80xi32, #tpu.memory_space<hbm>>
    %dma_wait3A_102 = tpu.memref_slice %arg3[%multiple_of3A_96] : memref<320000xi32, #tpu.memory_space<hbm>> -> memref<80xi32, #tpu.memory_space<hbm>>
    tpu.wait_dma2 semaphore(%arg11 : memref<!tpu.dma_semaphore, #tpu.memory_space<semaphore_mem>>) src(%dma_wait3A_102 : memref<80xi32, #tpu.memory_space<hbm>>) dst(%arg7 : memref<80xi32, #tpu.memory_space<vmem>>)
    "tpu.region"() ({
      %run_scoped3A = tpu.sem_alloc : memref<!tpu.dma_semaphore, #tpu.memory_space<semaphore_mem>>
      %dma_start3A_114 = arith.constant 0 : i32
      %dma_start3A_115 = arith.constant 0 : i32
      %dma_start3A_116 = tpu.memref_slice %arg10[%dma_start3A_114, %dma_start3A_115] : memref<10000x128xf32, #tpu.memory_space<vmem_shared>> -> memref<10000x128xf32, #tpu.memory_space<vmem_shared>>
      tpu.enqueue_indirect_dma source(%arg5 : memref<80x128xf32, #tpu.memory_space<vmem>>) target(%dma_start3A_116 : memref<10000x128xf32, #tpu.memory_space<vmem_shared>>) offsets(%arg7 : memref<80xi32, #tpu.memory_space<vmem>>) semaphore(%run_scoped3A : memref<!tpu.dma_semaphore, #tpu.memory_space<semaphore_mem>>) {add = true}
      %dma_wait3A_117 = arith.constant 0 : i32
      %dma_wait3A_118 = arith.constant 0 : i32
      %dma_wait3A_119 = tpu.memref_slice %arg10[%dma_wait3A_117, %dma_wait3A_118] : memref<10000x128xf32, #tpu.memory_space<vmem_shared>> -> memref<10000x128xf32, #tpu.memory_space<vmem_shared>>
      tpu.wait_indirect_dma semaphore(%run_scoped3A : memref<!tpu.dma_semaphore, #tpu.memory_space<semaphore_mem>>) src(%arg5 : memref<80x128xf32, #tpu.memory_space<vmem>>) dst(%dma_wait3A_119 : memref<10000x128xf32, #tpu.memory_space<vmem_shared>>)
      tpu.yield
    }) : () -> ()
    %barrier3A_103 = arith.constant 0 : index
    tpu.barrier barrier_id(%barrier3A_103)
    %while3A_104 = arith.constant 0 : i32
    %while3A_105 = arith.constant 0 : i32
    %while3A_106 = arith.subi %select_n3A, %while3A_105 : i32
    %while3A_107 = arith.addi %while3A_105, %while3A_106 : i32
    %while3A_108 = arith.constant 1 : i32
    %while3A_109 = arith.divsi %while3A_106, %while3A_108 : i32
    %while3A_110 = arith.muli %while3A_109, %while3A_108 : i32
    %while3A_111 = arith.addi %while3A_105, %while3A_110 : i32
    %while3A_112 = arith.constant 1 : i32
    scf.for %while3A_114 = %while3A_105 to %while3A_111 step %while3A_112  : i32 {
      %mul3A_115 = arith.constant 16 : i32
      %mul3A_116 = arith.muli %while3A_114, %mul3A_115 : i32
      %add3A_117 = arith.addi %arg1, %mul3A_116 : i32
      %mul3A_118 = arith.constant 80 : i32
      %mul3A_119 = arith.muli %add3A_117, %mul3A_118 : i32
      %multiple_of3A_120 = tpu.assume_multiple %mul3A_119, 8 : i32
      "tpu.region"() ({
        %run_scoped3A = tpu.sem_alloc : memref<!tpu.dma_semaphore, #tpu.memory_space<semaphore_mem>>
        %dma_start3A_121 = arith.constant 0 : i32
        %dma_start3A_122 = tpu.memref_slice %arg4[%arg0, %multiple_of3A_120, %dma_start3A_121] : memref<2x10000x128xf32, #tpu.memory_space<hbm>> -> memref<1x80x128xf32, #tpu.memory_space<hbm>>
        %dma_start3A_123 = tpu.memref_squeeze %dma_start3A_122 : memref<1x80x128xf32, #tpu.memory_space<hbm>> -> memref<80x128xf32, #tpu.memory_space<hbm>>
        %dma_start3A_124 = arith.constant 0 : i32
        %dma_start3A_125 = tpu.memref_slice %arg10[%multiple_of3A_120, %dma_start3A_124] : memref<10000x128xf32, #tpu.memory_space<vmem_shared>> -> memref<80x128xf32, #tpu.memory_space<vmem_shared>>
        tpu.enqueue_dma source(%dma_start3A_125 : memref<80x128xf32, #tpu.memory_space<vmem_shared>>) target(%dma_start3A_123 : memref<80x128xf32, #tpu.memory_space<hbm>>) target_semaphore(%run_scoped3A : memref<!tpu.dma_semaphore, #tpu.memory_space<semaphore_mem>>)
        %dma_wait3A_126 = arith.constant 0 : i32
        %dma_wait3A_127 = tpu.memref_slice %arg4[%arg0, %multiple_of3A_120, %dma_wait3A_126] : memref<2x10000x128xf32, #tpu.memory_space<hbm>> -> memref<1x80x128xf32, #tpu.memory_space<hbm>>
        %dma_wait3A_128 = tpu.memref_squeeze %dma_wait3A_127 : memref<1x80x128xf32, #tpu.memory_space<hbm>> -> memref<80x128xf32, #tpu.memory_space<hbm>>
        %dma_wait3A_129 = arith.constant 0 : i32
        %dma_wait3A_130 = tpu.memref_slice %arg10[%multiple_of3A_120, %dma_wait3A_129] : memref<10000x128xf32, #tpu.memory_space<vmem_shared>> -> memref<80x128xf32, #tpu.memory_space<vmem_shared>>
        tpu.wait_dma2 semaphore(%run_scoped3A : memref<!tpu.dma_semaphore, #tpu.memory_space<semaphore_mem>>) src(%dma_wait3A_130 : memref<80x128xf32, #tpu.memory_space<vmem_shared>>) dst(%dma_wait3A_128 : memref<80x128xf32, #tpu.memory_space<hbm>>)
        tpu.yield
      }) : () -> ()
    }
    %while3A_113 = arith.constant 1 : i32
    scf.for %while3A_114 = %while3A_111 to %while3A_107 step %while3A_113  : i32 {
      %mul3A_115 = arith.constant 16 : i32
      %mul3A_116 = arith.muli %while3A_114, %mul3A_115 : i32
      %add3A_117 = arith.addi %arg1, %mul3A_116 : i32
      %mul3A_118 = arith.constant 80 : i32
      %mul3A_119 = arith.muli %add3A_117, %mul3A_118 : i32
      %multiple_of3A_120 = tpu.assume_multiple %mul3A_119, 8 : i32
      "tpu.region"() ({
        %run_scoped3A = tpu.sem_alloc : memref<!tpu.dma_semaphore, #tpu.memory_space<semaphore_mem>>
        %dma_start3A_121 = arith.constant 0 : i32
        %dma_start3A_122 = tpu.memref_slice %arg4[%arg0, %multiple_of3A_120, %dma_start3A_121] : memref<2x10000x128xf32, #tpu.memory_space<hbm>> -> memref<1x80x128xf32, #tpu.memory_space<hbm>>
        %dma_start3A_123 = tpu.memref_squeeze %dma_start3A_122 : memref<1x80x128xf32, #tpu.memory_space<hbm>> -> memref<80x128xf32, #tpu.memory_space<hbm>>
        %dma_start3A_124 = arith.constant 0 : i32
        %dma_start3A_125 = tpu.memref_slice %arg10[%multiple_of3A_120, %dma_start3A_124] : memref<10000x128xf32, #tpu.memory_space<vmem_shared>> -> memref<80x128xf32, #tpu.memory_space<vmem_shared>>
        tpu.enqueue_dma source(%dma_start3A_125 : memref<80x128xf32, #tpu.memory_space<vmem_shared>>) target(%dma_start3A_123 : memref<80x128xf32, #tpu.memory_space<hbm>>) target_semaphore(%run_scoped3A : memref<!tpu.dma_semaphore, #tpu.memory_space<semaphore_mem>>)
        %dma_wait3A_126 = arith.constant 0 : i32
        %dma_wait3A_127 = tpu.memref_slice %arg4[%arg0, %multiple_of3A_120, %dma_wait3A_126] : memref<2x10000x128xf32, #tpu.memory_space<hbm>> -> memref<1x80x128xf32, #tpu.memory_space<hbm>>
        %dma_wait3A_128 = tpu.memref_squeeze %dma_wait3A_127 : memref<1x80x128xf32, #tpu.memory_space<hbm>> -> memref<80x128xf32, #tpu.memory_space<hbm>>
        %dma_wait3A_129 = arith.constant 0 : i32
        %dma_wait3A_130 = tpu.memref_slice %arg10[%multiple_of3A_120, %dma_wait3A_129] : memref<10000x128xf32, #tpu.memory_space<vmem_shared>> -> memref<80x128xf32, #tpu.memory_space<vmem_shared>>
        tpu.wait_dma2 semaphore(%run_scoped3A : memref<!tpu.dma_semaphore, #tpu.memory_space<semaphore_mem>>) src(%dma_wait3A_130 : memref<80x128xf32, #tpu.memory_space<vmem_shared>>) dst(%dma_wait3A_128 : memref<80x128xf32, #tpu.memory_space<hbm>>)
        tpu.yield
      }) : () -> ()
    }
    return
  }
}

module attributes {stable_mosaic.version = 14 : i64} {
  func.func @_combine_body(%arg0: i32, %arg1: memref<2x2000x128xf32, #tpu.memory_space<vmem>>, %arg2: memref<2000x128xf32, #tpu.memory_space<vmem>>, %arg3: memref<2000x128xf32, #tpu.memory_space<vmem>>) attributes {dimension_semantics = [#tpu.dimension_semantics<arbitrary>], iteration_bounds = array<i64: 5>, scalar_prefetch = 0 : i64, scratch_operands = 0 : i64, tpu.core_type = #tpu.core_type<tc>, window_params = [{transform_indices = @transform_0, window_bounds = array<i64: 2, 2000, 128>}, {transform_indices = @transform_1, window_bounds = array<i64: 2000, 128>}, {transform_indices = @transform_2, window_bounds = array<i64: 2000, 128>}]} {
    %get3A = arith.constant 0 : index
    %get3A_0 = arith.constant 0 : index
    %get3A_1 = arith.constant 0 : index
    %get3A_2 = vector.load %arg1[%get3A, %get3A_0, %get3A_1] : memref<2x2000x128xf32, #tpu.memory_space<vmem>>, vector<1x2000x128xf32>
    %get3A_3 = vector.shape_cast %get3A_2 : vector<1x2000x128xf32> to vector<2000x128xf32>
    %get3A_4 = arith.constant 1 : index
    %get3A_5 = arith.constant 0 : index
    %get3A_6 = arith.constant 0 : index
    %get3A_7 = vector.load %arg1[%get3A_4, %get3A_5, %get3A_6] : memref<2x2000x128xf32, #tpu.memory_space<vmem>>, vector<1x2000x128xf32>
    %get3A_8 = vector.shape_cast %get3A_7 : vector<1x2000x128xf32> to vector<2000x128xf32>
    %add3A = arith.addf %get3A_3, %get3A_8 : vector<2000x128xf32>
    %get3A_9 = arith.constant 0 : index
    %get3A_10 = arith.constant 0 : index
    %get3A_11 = vector.load %arg2[%get3A_9, %get3A_10] : memref<2000x128xf32, #tpu.memory_space<vmem>>, vector<2000x128xf32>
    %add3A_12 = arith.addf %add3A, %get3A_11 : vector<2000x128xf32>
    %swap3A = arith.constant 0 : index
    %swap3A_13 = arith.constant 0 : index
    %swap3A_14 = vector.load %arg3[%swap3A, %swap3A_13] : memref<2000x128xf32, #tpu.memory_space<vmem>>, vector<2000x128xf32>
    tpu.vector_store %arg3[%swap3A, %swap3A_13], %add3A_12 {strides = array<i32>} : memref<2000x128xf32, #tpu.memory_space<vmem>>, vector<2000x128xf32>,
    return
  }
  func.func @transform_0(%arg0: i32) -> (i32, i32, i32) {
    %c0_i32 = arith.constant 0 : i32
    %c0_i32_0 = arith.constant 0 : i32
    %c0_i32_1 = arith.constant 0 : i32
    return %c0_i32, %arg0, %c0_i32_0 : i32, i32, i32
  }
  func.func @transform_1(%arg0: i32) -> (i32, i32) {
    %add3A = arith.constant 160 : i32
    %add3A_0 = arith.addi %add3A, %arg0 : i32
    %c0_i32 = arith.constant 0 : i32
    %c0_i32_1 = arith.constant 0 : i32
    return %add3A_0, %c0_i32 : i32, i32
  }
  func.func @transform_2(%arg0: i32) -> (i32, i32) {
    %c0_i32 = arith.constant 0 : i32
    %c0_i32_0 = arith.constant 0 : i32
    return %arg0, %c0_i32 : i32, i32
  }
}

</mosaic_0001>

<sc_bundles>
// kernel: kernel.4.cloned.1.call-start
scs
__scs_entry_jumppad:
0x0: {  	(pc) =	sbr.rel $0x88, $3  }
0x1: {  	(tag) =	ssettag $0x0;
	lr =	simm.s32 $0x1  }
0x2: {  	[smem:$0x3F9F] =	sst lr;
	_ =	strace $0xD0000000  }
0x3: {  	_ = 	snop  }
0x4: {  	_ = 	snop  }
0x5: {  	_ = 	snop  }
0x6: {  	_ = 	snop  }
0x7: {  	_ = 	snop  }
__scs_overlays_trampoline_lowered:
0x8: {  	[smem:$0x3FAE] =	sst s0  }
0x9: {  	[smem:$0x3FAF] =	sst s1  }
0xa: {  	[smem:$0x3FB0] =	sst s2  }
0xb: {  	[smem:$0x3FB1] =	sst s3  }
0xc: {  	[smem:$0x3FB2] =	sst s4  }
0xd: {  	[smem:$0x3FB3] =	sst s5  }
0xe: {  	[smem:$0x3FB4] =	sst s6  }
0xf: {  	[smem:$0x3FB5] =	sst s7  }
0x10: {  	[smem:$0x3FB6] =	sst s8  }
0x11: {  	[smem:$0x3FB7] =	sst s9;
	s0 =	simm.s32 @!p0 $0x0  }
0x12: {  	s1 =	sld [smem:$0x3F9D];
	s0 =	simm.s32 @p0 $0x1  }
0x13: {  	[smem:$0x3FB8] =	sst s0;
	s0 =	simm.s32 @!p1 $0x0  }
0x14: {  	s2 =	sld [smem:$0x3F9C];
	s0 =	simm.s32 @p1 $0x1  }
0x15: {  	[smem:$0x3FB9] =	sst s0;
	s0 =	simm.s32 @!p2 $0x0  }
0x16: {  	s3 =	sld [smem:$0x3FDB];
	s0 =	simm.s32 @p2 $0x1  }
0x17: {  	s4 =	simm.s32 $0x1BF5;
	[smem:$0x3FBB] =	sst s0  }
0x18: {  	s0 =	sld [smem:$0x3F9E];
	_ =	swait.ge [sflag:s4], $0x0  }
0x19: {  	s7 =	sld [smem:$0x3F9F]  }
0x1a: {  	s8 =	sadd.s32 $0xFFFFE003, lr  }
0x1b: {  	s9 =	sadd.s32 $0xFFFFFEF7, lr;
	s5 =	simm.s32 $0xFFFFFFFF;
	p2 =	slt.u32 s8, $0xFFFFF086  }
0x1c: {  	p1 =	slt.u32 s9, $0xF7A;
	s5 =	simm.s32 @!p2 $0x0  }
0x1d: {  	s5 =	simm.s32 @p1 $0x1;
	p0 =	seq.s32 s7, s2  }
0x1e: {  	s7 =	smul.u32 @!p0 $0xF7A, s2;
	p2 =	seq.s32 @!p0 s5, $0x0  }
0x1f: {  	s9 =	smul.u32 $0xF7A, s1;
	s8 =	simm.s32 @!p0 $0x1BF5;
	p2 =	por !p2, p0  }
0x20: {  	[sflag:s8] =	ssyncset.s32 @!p0 $0xFFFFF086;
	s6 =	sadd.s32 @!p0 s3, s7;
	s7 =	simm.s32 @!p0 $0x108  }
0x21: {  	s3 =	sadd.s32 s3, s9;
	s6 =	sadd.s32 @!p0 $0x88, s6;
	s7 =	simm.s32 @p2 $0x1082  }
0x22: {  	[simem:s7], [sflag:s8] =	dma.local @!p0 [hbm:s6], $0xF7A  }
0x23: {  	s9 =	sor.u32 $0xD0000000, s2;
	s6 =	simm.s32 $0x108;
	_ =	swait.ge @!p0 [sflag:s8], $0x0  }
0x24: {  	s3 =	sadd.s32 $0x88, s3;
	s6 =	simm.s32 @!p1 $0x1082;
	[sflag:s4] =	ssyncset.s32 $0xFFFFF086  }
0x25: {  	[simem:s6], [sflag:s4] =	dma.local [hbm:s3], $0xF7A  }
0x26: {  	[smem:$0x3F9F] =	sst s1;
	(tag) =	ssettag s2;
	_ =	strace s9  }
0x27: {  	s1 =	sld [smem:$0x3FAF]  }
0x28: {  	s2 =	sld [smem:$0x3FB0]  }
0x29: {  	s4 =	sld [smem:$0x3FB2]  }
0x2a: {  	p0 =	seq.s32 s5, $0x0;
	s5 =	sld [smem:$0x3FB3]  }
0x2b: {  	s6 =	sld [smem:$0x3FB4]  }
0x2c: {  	s7 =	sld [smem:$0x3FB5]  }
0x2d: {  	s3 =	simm.s32 $0x108;
	s8 =	sld [smem:$0x3FB6]  }
0x2e: {  	s3 =	simm.s32 @!p0 $0x1082;
	s9 =	sld [smem:$0x3FB7]  }
0x2f: {  	lr =	sadd.s32 s0, s3;
	s0 =	sld [smem:$0x3FAE]  }
0x30: {  	s3 =	sld [smem:$0x3FB1]  }
0x31: {  	[smem:$0x3FBA] =	sst s10  }
0x32: {  	s10 =	sld [smem:$0x3FB8];
	_ =	sdelay $0x3  }
0x33: {  	p0 =	seq.s32 s10, $0x1;
	s10 =	sld [smem:$0x3FBA];
	_ =	sdelay $0x3  }
0x34: {  	[smem:$0x3FBA] =	sst s10  }
0x35: {  	s10 =	sld [smem:$0x3FB9];
	_ =	sdelay $0x3  }
0x36: {  	p1 =	seq.s32 s10, $0x1;
	s10 =	sld [smem:$0x3FBA];
	_ =	sdelay $0x3  }
0x37: {  	[smem:$0x3FBA] =	sst s10  }
0x38: {  	s10 =	sld [smem:$0x3FBB]  }
0x39: {  	_ = 	snop;
	(pc) =	sbr.ind lr, $3  }
0x3a: {  	_ = 	snop  }
0x3b: {  	_ = 	snop  }
0x3c: {  	p2 =	seq.s32 s10, $0x1;
	s10 =	sld [smem:$0x3FBA]  }
0x3d: {  	_ =	shalt  }
0x3e: {  	_ =	shalt  }
0x3f: {  	_ =	shalt  }
0x40: {  	_ =	shalt  }
0x41: {  	_ =	shalt  }
0x42: {  	_ =	shalt  }
0x43: {  	_ =	shalt  }
0x44: {  	_ =	shalt  }
0x45: {  	_ =	shalt  }
0x46: {  	_ =	shalt  }
0x47: {  	_ =	shalt  }
0x48: {  	_ =	shalt  }
0x49: {  	_ =	shalt  }
0x4a: {  	_ =	shalt  }
0x4b: {  	_ =	shalt  }
0x4c: {  	_ =	shalt  }
0x4d: {  	_ =	shalt  }
0x4e: {  	_ =	shalt  }
0x4f: {  	_ =	shalt  }
0x50: {  	_ =	shalt  }
0x51: {  	_ =	shalt  }
0x52: {  	_ =	shalt  }
0x53: {  	_ =	shalt  }
0x54: {  	_ =	shalt  }
0x55: {  	_ =	shalt  }
0x56: {  	_ =	shalt  }
0x57: {  	_ =	shalt  }
0x58: {  	_ =	shalt  }
0x59: {  	_ =	shalt  }
0x5a: {  	_ =	shalt  }
0x5b: {  	_ =	shalt  }
0x5c: {  	_ =	shalt  }
0x5d: {  	_ =	shalt  }
0x5e: {  	_ =	shalt  }
0x5f: {  	_ =	shalt  }
0x60: {  	_ =	shalt  }
0x61: {  	_ =	shalt  }
0x62: {  	_ =	shalt  }
0x63: {  	_ =	shalt  }
0x64: {  	_ =	shalt  }
0x65: {  	_ =	shalt  }
0x66: {  	_ =	shalt  }
0x67: {  	_ =	shalt  }
0x68: {  	_ =	shalt  }
0x69: {  	_ =	shalt  }
0x6a: {  	_ =	shalt  }
0x6b: {  	_ =	shalt  }
0x6c: {  	_ =	shalt  }
0x6d: {  	_ =	shalt  }
0x6e: {  	_ =	shalt  }
0x6f: {  	_ =	shalt  }
0x70: {  	_ =	shalt  }
0x71: {  	_ =	shalt  }
0x72: {  	_ =	shalt  }
0x73: {  	_ =	shalt  }
0x74: {  	_ =	shalt  }
0x75: {  	_ =	shalt  }
0x76: {  	_ =	shalt  }
0x77: {  	_ =	shalt  }
0x78: {  	_ =	shalt  }
0x79: {  	_ =	shalt  }
0x7a: {  	_ =	shalt  }
0x7b: {  	_ =	shalt  }
0x7c: {  	_ =	shalt  }
0x7d: {  	_ =	shalt  }
0x7e: {  	_ =	shalt  }
0x7f: {  	_ =	shalt  }
0x80: {  	_ =	shalt  }
0x81: {  	_ =	shalt  }
0x82: {  	_ =	shalt  }
0x83: {  	_ =	shalt  }
0x84: {  	_ =	shalt  }
0x85: {  	_ =	shalt  }
0x86: {  	_ =	shalt  }
0x87: {  	_ =	shalt  }
.Lfunc_end0:
.L_simem_size_0:
called_computation_lowered:
.L_overlay_start_0:
0x88: {  	s2 =	sld [smem:$0x3FD9]  }
0x89: {  	s3 =	sld [smem:$0x3FFE];
	_ =	sdelay $0x1  }
0x8a: {  	s1 =	srdreg.scid  }
0x8b: {  	s0 =	sand.u32 $0x1, s1  }
0x8c: {  	s17 =	sshll.u32 s0, $0xA;
	s2 =	sadd.s32 s3, s2  }
0x8d: {  	s2 =	sadd.s32 s2, s17  }
0x8e: {  	[smem:$0x3FC6] =	sst s2  }
0x8f: {  	_ = 	snop  }
0x90: {  	s2 =	sld [smem:$0x3FC9]  }
0x91: {  	s18 =	sld [smem:$0x3FC8];
	(tm) =	ssettm $0x1  }
0x92: {  	s4 =	sld [smem:$0x3FFB];
	_ =	sdelay $0x3  }
0x93: {  	_ =	strace s4  }
0x94: {  	s4 =	sld [smem:$0x3FFC];
	_ =	sdelay $0x3  }
0x95: {  	_ =	strace s4  }
0x96: {  	s4 =	sld [smem:$0x3FFD];
	_ =	sdelay $0x3  }
0x97: {  	_ =	strace s4  }
0x98: {  	_ =	strace $0x8FFFFFFF  }
0x99: {  	s19 =	sld [smem:$0x3FDB];
	_ =	sdelay $0x1  }
0x9a: {  	s5 =	simm.s32 $_scs_section_size  }
0x9b: {  	s6 =	simm.s32 $_size__tile_overlayer_lowered;
	s7 =	simm.s32 $_tile_overlayer_lowered  }
0x9c: {  	s22 =	simm.s32 $0x1BFF;
	s21 =	sshll.u32 s7, $0x1;
	s4 =	sadd.s32 s5, s19  }
0x9d: {  	s8 =	simm.s32 $0x0;
	s20 =	sshll.u32 s6, $0x1;
	s6 =	sadd.s32 s21, s4  }
0x9e: {  	[timem:s8], [sflag:s22] =	dma.local [hbm:s6], s20  }
0x9f: {  	_ =	swait.ge [sflag:s22], s20  }
0xa0: {  	s5 =	ssub.s32 $0x0, s20;
	[sflag:s22] =	ssyncset.done $0x0  }
0xa1: {  	[sflag:s22] =	ssyncadd.s32 s5;
	_ =	sdelay $0x1  }
0xa2: {  	s23 =	simm.s32 $0x1B8B  }
0xa3: {  	_ =	swait.ge [sflag:s23], $0x1  }
0xa4: {  	[sflag:s23] =	ssyncset.done $0x0  }
0xa5: {  	s25 =	simm.s32 $0x1B8E;
	s24 =	sld [smem:$0x3FFE];
	[sflag:s23] =	ssyncadd.s32 $0xFFFFFFFF  }
0xa6: {  	s26 =	simm.s32 $execute0_lowered;
	[smem:$0x3FD2] =	sst s25  }
0xa7: {  	s6 =	sshll.u32 s26, $0x1;
	_ =	strace $0x80000046;
	[dreg:$0x1] =	wrdreg $0xFFFFFFFF  }
0xa8: {  	s28 =	simm.s32 $_size_execute0_lowered;
	s4 =	sadd.s32 s4, s6;
	[dreg:$0x0] =	wrdreg $0x0  }
0xa9: {  	s6 =	sshll.u32 s28, $0x1;
	[dreg:$0x2] =	wrdreg s4  }
0xaa: {  	[dreg:$0x3] =	wrdreg s6  }
0xab: {  	[dreg:$0x4] =	wrdreg $0xC0  }
0xac: {  	_ =	task [dreg:s8], $0x5FFFF  }
0xad: {  	[dreg:$0x1] =	wrdreg $0xFFFFFFFF  }
0xae: {  	[dreg:$0x0] =	wrdreg $0x60  }
0xaf: {  	[dreg:$0x2] =	wrdreg s2  }
0xb0: {  	[dreg:$0x3] =	wrdreg s18  }
0xb1: {  	[dreg:$0x4] =	wrdreg s24  }
0xb2: {  	[dreg:$0x5] =	wrdreg $0x79000  }
0xb3: {  	[dreg:$0x6] =	wrdreg $0x9  }
0xb4: {  	_ =	task.clear_ibuf [dreg:s8], $0x7FFFF;
	_ =	strace $0x90000046  }
0xb5: {  	s29 =	simm.s32 $0x9;
	_ =	strace $0x80000048  }
0xb6: {  	_ =	swait.ge [sflag:s29], $0x1  }
0xb7: {  	[sflag:s29] =	ssyncadd.s32 $0xFFFFFFFF  }
0xb8: {  	_ =	strace $0x90000048  }
0xb9: {  	_ =	sfence  }
0xba: {  	s30 =	sld [smem:$0x0];
	_ =	sdelay $0x2  }
0xbb: {  	s31 =	sshll.u32 s1, $0xD;
	s1 =	sshrl.u32 s1, $0x2  }
0xbc: {  	s3 =	sand.u32 $0x4000, s31;
	s1 =	sadd.s32 s1, s30  }
0xbd: {  	s0 =	sor.u32 s3, s0;
	s1 =	sshll.u32 s1, $0x11  }
0xbe: {  	s0 =	sor.u32 s1, s0  }
0xbf: {  	s0 =	sadd.s32 $0x8F2B, s0  }
0xc0: {  	[sflag:s0] =	ssyncadd.remote.s32 $0x1  }
0xc1: {  	_ =	sfence.sel $0xFFFF  }
0xc2: {  	[dreg:$0x0] =	wrdreg $0xFFFFFFFF;
	(pc) =	sbr.abs _section_cstart, $3  }
0xc3: {  	[dreg:$0x1] =	wrdreg $0xFFFFFFFF  }
0xc4: {  	_ =	task.clear_ibuf [dreg:s8], $0x2FFFF;
	_ =	strace $0x9FFFFFFF  }
0xc5: {  	(tm) =	ssettm $0x7FFFFFFF  }
tec
execute0_lowered:
.L_overlay_start_1:
0x0: {  	(tag) =	ssettag $0x1  }
0x1: {  	s13 =	rddreg [dreg:$0x0];
	s18 =	stileid.u32  }
0x2: {  	s0 =	rddreg [dreg:$0x1];
	s7 =	smul.u32 $0x2800, s18  }
0x3: {  	s1 =	srdreg.scid;
	s15 =	smul.u32 $0xA000, s18  }
0x4: {  	s5 =	rddreg [dreg:$0x2];
	s12 =	sand.u32 $0x1, s1;
	s16 =	smul.u32 $0x4E200, s18  }
0x5: {  	s8 =	sshll.u32 s18, $0x1;
	s9 =	ssub.s32 $0x8C, s18;
	s18 =	smul.u32 $0x4E20, s18  }
0x6: {  	s3 =	rddreg [dreg:$0x3];
	s4 =	simm.s32 $0x0;
	s6 =	smul.u32 $0x138800, s12  }
0x7: {  	[smem:$0x7FF] =	sst s4;
	s19 =	sor.u32 s12, s8;
	s26 =	smul.u32 $0x27100, s12  }
0x8: {  	_ =	strace $0x80000047;
	s20 =	ssub.s32 $0x2, s12;
	s10 =	smul.u32 $0x2710, s19  }
0x9: {  	s9 =	sshrl.u32 s9, $0x4;
	s21 =	sshrl.u32 s20, $0x1;
	s22 =	smul.u32 $0x27100, s19  }
0xa: {  	s29 =	sshrl.u32 s15, $0x2;
	s6 =	sadd.s32 s7, s6;
	s14 =	ssub.s32 s20, s21  }
0xb: {  	s20 =	smul.u32 $0x2710, s12;
	s21 =	simm.s32 $0x5100;
	s6 =	sshrl.u32 s6, $0x3  }
0xc: {  	s23 =	sshrl.u32 s10, $0x3;
	s24 =	sadd.s32 $0x50, s10;
	s10 =	sadd.s32 $0x26C0, s10  }
0xd: {  	s12 =	smax.u32 s14, $0x1;
	s17 =	sadd.s32 s6, s5;
	s5 =	sadd.s32 s13, s22  }
0xe: {  	s6 =	sadd.s32 s0, s23;
	s25 =	sshll.u32 s24, $0x4;
	s8 =	sshrl.u32 s24, $0x3  }
0xf: {  	s11 =	sshll.u32 s10, $0x4;
	s19 =	sshrl.u32 s10, $0x3;
	s28 =	sadd.s32 s20, s18  }
0x10: {  	s20 =	simm.s32 $0x5080;
	s22 =	simm.s32 $0x3;
	s23 =	simm.s32 $0x1  }
0x11: {  	s24 =	simm.s32 $0x50;
	s7 =	sadd.s32 s13, s25;
	s8 =	sadd.s32 s0, s8  }
0x12: {  	s10 =	sadd.s32 s13, s11;
	s11 =	sadd.s32 s0, s19;
	s13 =	sadd.s32 s16, s13  }
0x13: {  	s18 =	sadd.s32 $0xF0, s28;
	s16 =	sadd.s32 $0xA0, s28;
	s17 =	sadd.s32 $0x600, s17  }
0x14: {  	s19 =	simm.s32 $0x2800;
	s25 =	simm.s32 $0x2;
	s30 =	sadd.s32 s26, s13  }
0x15: {  	s13 =	sadd.s32 s29, s3;
	s31 =	sshrl.u32 s18, $0x3;
	s18 =	simm.s32 $0x5000  }
0x16: {  	v0 =	vimm.f32 $0.0e+00;
	s26 =	simm.s32 $0x0;
	s14 =	sadd.s32 $0xF00, s30;
	s15 =	sadd.s32 s31, s0  }
.LBB2_1:
0x17: {  	[tilespmem:s4], [sflag:$0x1] =	stream.linear.gather [hbm4b:s5+s4], $0x2800, $0x38;
	[tilespmem:$0x1B180] =	vst v63  }
0x18: {  	_ = 	snop  }
0x19: {  	[tilespmem:s18], [sflag:$0x1] =	stream.linear.gather [hbm4b:s6+s4], $0x50, $0x38;
	[tilespmem:$0x1B180] =	vst v63  }
0x1a: {  	_ = 	snop  }
0x1b: {  	[tilespmem:s19], [sflag:$0x2] =	stream.linear.gather [hbm4b:s7+s4], $0x2800, $0x38;
	[tilespmem:$0x1B180] =	vst v63  }
0x1c: {  	s28 =	simm.s32 $0x0;
	s29 =	simm.s32 $0x200  }
0x1d: {  	[tilespmem:s20], [sflag:$0x2] =	stream.linear.gather [hbm4b:s8+s4], $0x50, $0x38;
	[tilespmem:$0x1B180] =	vst v63  }
.LBB2_2:
0x1e: {  	p0 =	sne.s32 s29, $0x9E00;
	[tilespmem:s28+$0x5170] =	vst v0  }
0x1f: {  	[tilespmem:s28+$0x5100] =	vst v0  }
0x20: {  	[tilespmem:s28+$0x5110] =	vst v0  }
.Ltmp0:
0x21: {  	[tilespmem:s28+$0x5120] =	vst v0;
	(pc) =	sbr.rel @p0 .LBB2_2-.Ltmp0, $4  }
0x22: {  	[tilespmem:s28+$0x5130] =	vst v0  }
0x23: {  	[tilespmem:s28+$0x5140] =	vst v0  }
0x24: {  	[tilespmem:s28+$0x5150] =	vst v0  }
0x25: {  	[tilespmem:s28+$0x5160] =	vst v0;
	s28 =	sshra.s32 s29, $0x2;
	s29 =	sadd.s32 $0x200, s29  }
0x26: {  	[tilespmem:s28+$0x5170] =	vst v0  }
0x27: {  	[tilespmem:s28+$0x5100] =	vst v0  }
0x28: {  	[tilespmem:s28+$0x5110] =	vst v0  }
0x29: {  	[tilespmem:s28+$0x5120] =	vst v0  }
0x2a: {  	[tilespmem:s28+$0x5130] =	vst v0  }
0x2b: {  	[tilespmem:s28+$0x5140] =	vst v0;
	p0 =	sne.s32 s9, $0x1  }
.Ltmp1:
0x2c: {  	[tilespmem:s28+$0x5150] =	vst v0;
	(pc) =	sbr.rel @!p0 .LBB2_5-.Ltmp1, $4  }
0x2d: {  	[tilespmem:s28+$0x5160] =	vst v0  }
0x2e: {  	[spmem:s13] =	stream.linear.scatter [tilespmem:s21], [sflag:$0x3], $0x2800, $0x38;
	[tilespmem:$0x1B180] =	vst v63  }
0x2f: {  	_ =	swait.ge [sflag:s22], $0x2800  }
0x30: {  	s28 =	sadd.s32 $0xFFFFFFFF, s9;
	s29 =	smov.u32 s13;
	[sflag:s22] =	ssyncset.done $0x0  }
.LBB2_4:
0x31: {  	p1 =	sne.s32 s28, $0x1;
	[sflag:s22] =	ssyncadd.s32 $0xFFFFD800;
	s29 =	sadd.s32 $0x28000, s29  }
.Ltmp2:
0x32: {  	s28 =	sadd.s32 $0xFFFFFFFF, s28;
	(pc) =	sbr.rel @p1 .LBB2_4-.Ltmp2, $4  }
0x33: {  	_ = 	snop  }
0x34: {  	[spmem:s29] =	stream.linear.scatter [tilespmem:s21], [sflag:$0x3], $0x2800, $0x38;
	[tilespmem:$0x1B180] =	vst v63  }
0x35: {  	_ =	swait.ge [sflag:s22], $0x2800  }
0x36: {  	[sflag:s22] =	ssyncset.done $0x0  }
.LBB2_5:
0x37: {  	[sflag:s22] =	ssyncadd.s32 $0xFFFFD800  }
0x38: {  	[bflag:$0x0] =	sbarrier.arrive $0xFFFF  }
0x39: {  	_ =	swait.ge [sflag:s23], $0x2800  }
0x3a: {  	[sflag:s23] =	ssyncset.done $0x0  }
0x3b: {  	[sflag:s23] =	ssyncadd.s32 $0xFFFFD800  }
0x3c: {  	_ =	swait.ge [sflag:s23], $0x50  }
0x3d: {  	[sflag:s23] =	ssyncset.done $0x0  }
0x3e: {  	[sflag:s23] =	ssyncadd.s32 $0xFFFFFFB0  }
0x3f: {  	[spmem:s3] =	stream.indirect.scatter.add.f32 [tilespmem:s4], [sflag:$0x3], $0x80, s18, s24, $0xb8;
	[tilespmem:$0x1B180] =	vst v63  }
0x40: {  	_ =	swait.ge [sflag:s22], $0x2800  }
0x41: {  	[sflag:s22] =	ssyncset.done $0x0  }
0x42: {  	s28 =	sadd.s32 $0xFFFFFB00, s14;
	s29 =	sshrl.u32 s16, $0x3;
	[sflag:s22] =	ssyncadd.s32 $0xFFFFD800  }
0x43: {  	[tilespmem:s4], [sflag:$0x1] =	stream.linear.gather [hbm4b:s28+s4], $0x2800, $0x38;
	[tilespmem:$0x1B180] =	vst v63  }
0x44: {  	s28 =	sadd.s32 s0, s29  }
0x45: {  	[tilespmem:s18], [sflag:$0x1] =	stream.linear.gather [hbm4b:s28+s4], $0x50, $0x38;
	[tilespmem:$0x1B180] =	vst v63  }
0x46: {  	_ =	swait.ge [sflag:s25], $0x2800  }
0x47: {  	[sflag:s25] =	ssyncset.done $0x0  }
0x48: {  	[sflag:s25] =	ssyncadd.s32 $0xFFFFD800  }
0x49: {  	_ =	swait.ge [sflag:s25], $0x50  }
0x4a: {  	[sflag:s25] =	ssyncset.done $0x0  }
0x4b: {  	[sflag:s25] =	ssyncadd.s32 $0xFFFFFFB0  }
0x4c: {  	[spmem:s3] =	stream.indirect.scatter.add.f32 [tilespmem:s19], [sflag:$0x3], $0x80, s20, s24, $0xb8;
	[tilespmem:$0x1B180] =	vst v63  }
0x4d: {  	_ =	swait.ge [sflag:s22], $0x2800  }
0x4e: {  	s31 =	sadd.s32 $0x0, s15;
	s30 =	sadd.s32 $0xA0, s16;
	[sflag:s22] =	ssyncset.done $0x0  }
0x4f: {  	s29 =	sadd.s32 $0xA00, s14;
	s28 =	simm.s32 $0x14;
	[sflag:s22] =	ssyncadd.s32 $0xFFFFD800  }
0x50: {  	[tilespmem:s19], [sflag:$0x2] =	stream.linear.gather [hbm4b:s14+s4], $0x2800, $0x38;
	[tilespmem:$0x1B180] =	vst v63  }
.LBB2_6:
0x51: {  	[tilespmem:s20], [sflag:$0x2] =	stream.linear.gather [hbm4b:s31+s4], $0x50, $0x38;
	[tilespmem:$0x1B180] =	vst v63  }
0x52: {  	s31 =	smov.u32 s28  }
0x53: {  	p1 =	sne.s32 s28, $0x4B0;
	s28 =	sadd.s32 $0x14, s28;
	_ =	swait.ge [sflag:s23], $0x2800  }
0x54: {  	[sflag:s23] =	ssyncset.done $0x0  }
0x55: {  	[sflag:s23] =	ssyncadd.s32 $0xFFFFD800  }
0x56: {  	_ =	swait.ge [sflag:s23], $0x50  }
0x57: {  	[sflag:s23] =	ssyncset.done $0x0  }
0x58: {  	[sflag:s23] =	ssyncadd.s32 $0xFFFFFFB0  }
0x59: {  	[spmem:s3] =	stream.indirect.scatter.add.f32 [tilespmem:s4], [sflag:$0x3], $0x80, s18, s24, $0xb8;
	[tilespmem:$0x1B180] =	vst v63  }
0x5a: {  	_ =	swait.ge [sflag:s22], $0x2800  }
0x5b: {  	[sflag:s22] =	ssyncset.done $0x0  }
0x5c: {  	s1 =	sadd.s32 $0xFFFFFB00, s29;
	s2 =	sshrl.u32 s30, $0x3;
	[sflag:s22] =	ssyncadd.s32 $0xFFFFD800  }
0x5d: {  	[tilespmem:s4], [sflag:$0x1] =	stream.linear.gather [hbm4b:s1+s4], $0x2800, $0x38;
	[tilespmem:$0x1B180] =	vst v63  }
0x5e: {  	s1 =	sadd.s32 s0, s2  }
0x5f: {  	[tilespmem:s18], [sflag:$0x1] =	stream.linear.gather [hbm4b:s1+s4], $0x50, $0x38;
	[tilespmem:$0x1B180] =	vst v63  }
0x60: {  	_ =	swait.ge [sflag:s25], $0x2800  }
0x61: {  	[sflag:s25] =	ssyncset.done $0x0  }
0x62: {  	[sflag:s25] =	ssyncadd.s32 $0xFFFFD800  }
0x63: {  	_ =	swait.ge [sflag:s25], $0x50  }
0x64: {  	[sflag:s25] =	ssyncset.done $0x0  }
0x65: {  	[sflag:s25] =	ssyncadd.s32 $0xFFFFFFB0  }
0x66: {  	[spmem:s3] =	stream.indirect.scatter.add.f32 [tilespmem:s19], [sflag:$0x3], $0x80, s20, s24, $0xb8;
	[tilespmem:$0x1B180] =	vst v63  }
.Ltmp3:
0x67: {  	_ =	swait.ge [sflag:s22], $0x2800;
	(pc) =	sbr.rel @p1 .LBB2_6-.Ltmp3, $4  }
0x68: {  	[sflag:s22] =	ssyncset.done $0x0  }
0x69: {  	[sflag:s22] =	ssyncadd.s32 $0xFFFFD800  }
0x6a: {  	[tilespmem:s19], [sflag:$0x2] =	stream.linear.gather [hbm4b:s29+s4], $0x2800, $0x38;
	[tilespmem:$0x1B180] =	vst v63  }
0x6b: {  	s30 =	sadd.s32 $0xA0, s30;
	s31 =	sadd.s32 s31, s15;
	s29 =	sadd.s32 $0xA00, s29  }
0x6c: {  	[tilespmem:s20], [sflag:$0x2] =	stream.linear.gather [hbm4b:s31+s4], $0x50, $0x38;
	[tilespmem:$0x1B180] =	vst v63  }
0x6d: {  	_ =	swait.ge [sflag:s23], $0x2800  }
0x6e: {  	[sflag:s23] =	ssyncset.done $0x0  }
0x6f: {  	[sflag:s23] =	ssyncadd.s32 $0xFFFFD800  }
0x70: {  	_ =	swait.ge [sflag:s23], $0x50  }
0x71: {  	[sflag:s23] =	ssyncset.done $0x0  }
0x72: {  	[sflag:s23] =	ssyncadd.s32 $0xFFFFFFB0  }
0x73: {  	[spmem:s3] =	stream.indirect.scatter.add.f32 [tilespmem:s4], [sflag:$0x3], $0x80, s18, s24, $0xb8;
	[tilespmem:$0x1B180] =	vst v63  }
0x74: {  	_ =	swait.ge [sflag:s22], $0x2800  }
0x75: {  	[sflag:s22] =	ssyncset.done $0x0  }
0x76: {  	[sflag:s22] =	ssyncadd.s32 $0xFFFFD800  }
0x77: {  	[tilespmem:s4], [sflag:$0x1] =	stream.linear.gather [hbm4b:s10+s4], $0x2800, $0x38;
	[tilespmem:$0x1B180] =	vst v63  }
0x78: {  	_ = 	snop  }
0x79: {  	[tilespmem:s18], [sflag:$0x1] =	stream.linear.gather [hbm4b:s11+s4], $0x50, $0x38;
	[tilespmem:$0x1B180] =	vst v63  }
0x7a: {  	_ =	swait.ge [sflag:s25], $0x2800  }
0x7b: {  	[sflag:s25] =	ssyncset.done $0x0  }
0x7c: {  	[sflag:s25] =	ssyncadd.s32 $0xFFFFD800  }
0x7d: {  	_ =	swait.ge [sflag:s25], $0x50  }
0x7e: {  	[sflag:s25] =	ssyncset.done $0x0  }
0x7f: {  	[sflag:s25] =	ssyncadd.s32 $0xFFFFFFB0  }
0x80: {  	[spmem:s3] =	stream.indirect.scatter.add.f32 [tilespmem:s19], [sflag:$0x3], $0x80, s20, s24, $0xb8;
	[tilespmem:$0x1B180] =	vst v63  }
0x81: {  	_ =	swait.ge [sflag:s22], $0x2800  }
0x82: {  	[sflag:s22] =	ssyncset.done $0x0  }
0x83: {  	[sflag:s22] =	ssyncadd.s32 $0xFFFFD800  }
0x84: {  	_ =	swait.ge [sflag:s23], $0x2800  }
0x85: {  	[sflag:s23] =	ssyncset.done $0x0  }
0x86: {  	[sflag:s23] =	ssyncadd.s32 $0xFFFFD800  }
0x87: {  	_ =	swait.ge [sflag:s23], $0x50  }
0x88: {  	[sflag:s23] =	ssyncset.done $0x0  }
0x89: {  	[sflag:s23] =	ssyncadd.s32 $0xFFFFFFB0  }
0x8a: {  	[spmem:s3] =	stream.indirect.scatter.add.f32 [tilespmem:s4], [sflag:$0x3], $0x80, s18, s24, $0xb8;
	[tilespmem:$0x1B180] =	vst v63  }
0x8b: {  	_ =	swait.ge [sflag:s22], $0x2800  }
.Ltmp4:
0x8c: {  	s1 =	stileid.u32;
	[sflag:s22] =	ssyncset.done $0x0;
	(pc) =	sbr.rel @!p0 .LBB2_9-.Ltmp4, $4  }
0x8d: {  	s2 =	sshrl.u32 s13, $0x3;
	s1 =	sshll.u32 s1, $0x6;
	[sflag:s22] =	ssyncadd.s32 $0xFFFFD800  }
0x8e: {  	s29 =	sadd.s32 $0xFFFFFFFF, s9;
	s28 =	sor.u32 $0x1C03, s1;
	[bflag:$0x0] =	sbarrier.arrive $0xFFFF  }
0x8f: {  	[hbm:s17], [sflag:s28] =	dma.local [spmem:s2], $0x500  }
0x90: {  	s30 =	sadd.s32 $0x5000, s17;
	s31 =	smov.u32 s13;
	_ =	swait.ge [sflag:s22], $0x500  }
.LBB2_8:
0x91: {  	[sflag:s22] =	ssyncset.done $0x0;
	s31 =	sadd.s32 $0x28000, s31;
	p0 =	sne.s32 s29, $0x1  }
.Ltmp5:
0x92: {  	s1 =	sshrl.u32 s31, $0x3;
	[sflag:s22] =	ssyncadd.s32 $0xFFFFFB00;
	(pc) =	sbr.rel @p0 .LBB2_8-.Ltmp5, $3  }
0x93: {  	[hbm:s30], [sflag:s28] =	dma.local [spmem:s1], $0x500  }
0x94: {  	s29 =	sadd.s32 $0xFFFFFFFF, s29;
	_ =	sdelay $0x1  }
0x95: {  	s30 =	sadd.s32 $0x5000, s30;
	_ =	swait.ge [sflag:s22], $0x500  }
.LBB2_9:
0x96: {  	s26 =	sadd.s32 $0x1, s26  }
0x97: {  	p0 =	sne.s32 s26, s12  }
.Ltmp6:
0x98: {  	_ = 	snop;
	(pc) =	sbr.rel @p0 .LBB2_1-.Ltmp6, $3  }
0x99: {  	_ =	sdelay $0x1  }
0x9a: {  	[sflag:s22] =	ssyncset.done $0x0  }
0x9b: {  	[sflag:s22] =	ssyncadd.s32 $0xFFFFFB00  }
0x9c: {  	_ =	sfence.sel $0x180000  }
0x9d: {  	[bflag:$0x0] =	sbarrier.arrive $0xFFFF  }
0x9e: {  	_ =	strace $0x90000047  }
0x9f: {  	s0 =	stileid.u32;
	[bflag:$0x2] =	sbarrier.arrive $0xFFFF  }
0xa0: {  	p0 =	sne.s32 s0, $0x0;
	s0 =	rddreg [dreg:$0x4]  }
0xa1: {  	s0 =	sadd.s32 @!p0 $0x100000, s0  }
0xa2: {  	[sflag:s0] =	ssyncadd.tile.s32 @!p0 $0x1;
	_ =	shalt  }
.Lfunc_end2:
_tile_overlayer_lowered:
.L_overlay_start_2:
0xa3: {  	(tag) =	ssettag $0x2  }
0xa4: {  	s0 =	rddreg [dreg:$0x0];
	s2 =	stileid.u32  }
0xa5: {  	s1 =	rddreg [dreg:$0x1];
	p0 =	sne.s32 s2, $0x0  }
0xa6: {  	s3 =	rddreg [dreg:$0x2];
	[bflag:$0x3] =	sbarrier.arrive $0xFFFF;
	s2 =	simm.s32 @!p0 $0x1C03  }
0xa7: {  	[timem:s3], [sflag:s2] =	dma.local @!p0 [hbm:s0], s1  }
0xa8: {  	s0 =	simm.s32 @!p0 $0x3  }
0xa9: {  	_ =	swait.ge @!p0 [sflag:s0], s1  }
0xaa: {  	s1 =	ssub.s32 @!p0 $0x0, s1;
	[sflag:s0] =	ssyncset.done @!p0 $0x0  }
0xab: {  	[sflag:s0] =	ssyncadd.s32 @!p0 s1  }
0xac: {  	[bflag:$0x3] =	sbarrier.arrive $0xFFFF  }
0xad: {  	_ =	shalt  }

</sc_bundles>
